<compile_context>
chip_gen: v7x
topology: tpu7x:2x2x1
jax: 0.10.2.dev20260603
libtpu: 0.0.44.dev20260713+nightly
codegen_flags: <defaults>
</compile_context>

<pallas_src>
import functools

import jax
import jax.numpy as jnp
from jax import lax
from jax.experimental import pallas as pl
from jax.experimental.pallas import tpu as pltpu
from jax.experimental.pallas import tpu_sc as plsc

N = 10000
E = 160000
D_IN = 256
D_OUT = 64

N_PAD = 10240
SLAB = N_PAD // 16
K = 128
H = 40

DEG_PAD = N_PAD
DEG_SLAB = DEG_PAD // 16



def _deg_body(dst_hbm, zeros_hbm, out_hbm, dstbuf, onesbuf, deg_sh):
    c = lax.axis_index("c")
    w = lax.axis_index("s")
    for t in range(DEG_SLAB // K):
        pltpu.sync_copy(zeros_hbm, deg_sh.at[pl.ds(w * DEG_SLAB + t * K, K)])
    pltpu.sync_copy(dst_hbm.at[w], dstbuf)
    for i in range(K // 16):
        onesbuf[pl.ds(16 * i, 16)] = jnp.full((16,), 1.0, jnp.float32)
    plsc.subcore_barrier()

    def body(j, _):
        pltpu.sync_copy(onesbuf, deg_sh.at[dstbuf.at[j]], add=True)
        return _

    lax.fori_loop(0, 2 * H, body, 0)
    plsc.subcore_barrier()
    pltpu.sync_copy(deg_sh.at[pl.ds(w * DEG_SLAB, DEG_SLAB)],
                    out_hbm.at[c, pl.ds(w * DEG_SLAB, DEG_SLAB)])


def _make_deg_kernel():
    mesh = plsc.VectorSubcoreMesh(core_axis_name="c", subcore_axis_name="s")
    return pl.kernel(
        _deg_body,
        out_type=jax.ShapeDtypeStruct((2, DEG_PAD), jnp.float32),
        mesh=mesh,
        scratch_types=[
            pltpu.VMEM((2 * H, K), jnp.int32),
            pltpu.VMEM((K,), jnp.float32),
            pltpu.VMEM_SHARED((DEG_PAD,), jnp.float32),
        ],
    )



def _agg_body(phases, tab_hbm, src_hbm, dst_hbm, zeros_hbm, out_hbm,
              srcbuf, dstbuf, r0, r1, acc_sh, gs0, gs1):
    c = lax.axis_index("c")
    w = lax.axis_index("s")
    wid = c * 16 + w
    pltpu.sync_copy(tab_hbm.at[pl.ds((c * 16 + w) * SLAB, SLAB)],
                    acc_sh.at[pl.ds(w * SLAB, SLAB)])
    plsc.subcore_barrier()

    def gather(j, rows, sem):
        pltpu.make_async_copy(acc_sh.at[srcbuf.at[j]], rows, sem).start()

    def gwait(rows, sem):
        pltpu.make_async_copy(acc_sh.at[srcbuf.at[0]], rows, sem).wait()

    for p in range(phases):
        pltpu.sync_copy(src_hbm.at[wid, pl.ds(p * H, H)], srcbuf)
        pltpu.sync_copy(dst_hbm.at[wid, pl.ds(p * H, H)], dstbuf)
        gather(0, r0, gs0)

        def body(i, _):
            j0 = 2 * i
            j1 = 2 * i + 1
            gather(j1, r1, gs1)
            gwait(r0, gs0)
            gather(jnp.where(j1 + 1 < H, j1 + 1, 0), r0, gs0)
            gwait(r1, gs1)
            return _

        lax.fori_loop(0, H // 2, body, 0)
        gwait(r0, gs0)

    plsc.subcore_barrier()
    pltpu.sync_copy(acc_sh.at[pl.ds(w * SLAB, SLAB)],
                    out_hbm.at[c, pl.ds(w * SLAB, SLAB)])


def _make_agg_kernel(phases):
    mesh = plsc.VectorSubcoreMesh(core_axis_name="c", subcore_axis_name="s")
    return pl.kernel(
        functools.partial(_agg_body, phases),
        out_type=jax.ShapeDtypeStruct((2, N_PAD, 128), jnp.float32),
        mesh=mesh,
        scratch_types=[
            pltpu.VMEM((H, K), jnp.int32),
            pltpu.VMEM((H, K), jnp.int32),
            pltpu.VMEM((K, 128), jnp.float32),
            pltpu.VMEM((K, 128), jnp.float32),
            pltpu.VMEM_SHARED((N_PAD, 128), jnp.float32),
            pltpu.SemaphoreType.DMA,
            pltpu.SemaphoreType.DMA,
        ],
    )



BR = 2560


def _tc1_body(deg_ref, x_ref, w1_ref, out_ref):
    dinv = lax.rsqrt(deg_ref[...] + 1.0)
    h = jnp.dot(x_ref[...], w1_ref[...], preferred_element_type=jnp.float32)
    g = h * dinv
    out_ref[0] = g[:, :128]
    out_ref[1] = g[:, 128:]


def _tc2_body(deg_ref, s_ref, g_ref, w2_ref, out_ref):
    dinv = lax.rsqrt(deg_ref[...] + 1.0)
    oa = jnp.maximum((s_ref[0] + g_ref[0]) * dinv, 0.0)
    ob = jnp.maximum((s_ref[1] + g_ref[1]) * dinv, 0.0)
    h2 = (jnp.dot(oa, w2_ref[:128], preferred_element_type=jnp.float32)
          + jnp.dot(ob, w2_ref[128:], preferred_element_type=jnp.float32))
    g2 = h2 * dinv
    out_ref[...] = jnp.pad(g2, ((0, 0), (0, 64)))


def _tc3_body(deg_ref, s_ref, g_ref, out_ref):
    dinv = lax.rsqrt(deg_ref[...] + 1.0)
    p = ((s_ref[0] + s_ref[1] + g_ref[...]) * dinv)[:, :D_OUT]
    m = jnp.max(p, axis=1, keepdims=True)
    e = jnp.exp(p - m)
    out_ref[...] = e / jnp.sum(e, axis=1, keepdims=True)


def _tc1(deg, x_pad, W1):
    return pl.pallas_call(
        _tc1_body,
        grid=(N_PAD // BR,),
        in_specs=[
            pl.BlockSpec((BR, 1), lambda b: (b, 0)),
            pl.BlockSpec((BR, D_IN), lambda b: (b, 0)),
            pl.BlockSpec((D_IN, D_IN), lambda b: (0, 0)),
        ],
        out_specs=pl.BlockSpec((2, BR, 128), lambda b: (0, b, 0)),
        out_shape=jax.ShapeDtypeStruct((2, N_PAD, 128), jnp.float32),
    )(deg, x_pad, W1)


def _tc2(deg, s1, g1, W2):
    return pl.pallas_call(
        _tc2_body,
        grid=(N_PAD // BR,),
        in_specs=[
            pl.BlockSpec((BR, 1), lambda b: (b, 0)),
            pl.BlockSpec((2, BR, 128), lambda b: (0, b, 0)),
            pl.BlockSpec((2, BR, 128), lambda b: (0, b, 0)),
            pl.BlockSpec((D_IN, D_OUT), lambda b: (0, 0)),
        ],
        out_specs=pl.BlockSpec((BR, 128), lambda b: (b, 0)),
        out_shape=jax.ShapeDtypeStruct((N_PAD, 128), jnp.float32),
    )(deg, s1, g1, W2)


def _tc3(deg, s2, g2):
    return pl.pallas_call(
        _tc3_body,
        grid=(N_PAD // BR,),
        in_specs=[
            pl.BlockSpec((BR, 1), lambda b: (b, 0)),
            pl.BlockSpec((2, BR, 128), lambda b: (0, b, 0)),
            pl.BlockSpec((BR, 128), lambda b: (b, 0)),
        ],
        out_specs=pl.BlockSpec((BR, D_OUT), lambda b: (b, 0)),
        out_shape=jax.ShapeDtypeStruct((N_PAD, D_OUT), jnp.float32),
    )(deg, s2, g2)



@jax.jit
def kernel(x, edge_index, W1, W2):
    src = edge_index[0]
    dst = edge_index[1]

    x_pad = jnp.zeros((N_PAD, D_IN), jnp.float32).at[:N].set(x)

    ept1 = E // 16
    pad1 = jnp.full((16, 2 * H * K - ept1), N, jnp.int32)
    src16 = jnp.concatenate([src.reshape(16, ept1), pad1], axis=1)
    dst16 = jnp.concatenate([dst.reshape(16, ept1), pad1], axis=1)
    src_w1 = jnp.stack([src16, src16]).reshape(32, 2 * H, K)
    dst_w1 = jnp.stack([dst16, dst16]).reshape(32, 2 * H, K)

    ept2 = E // 32
    pad2 = jnp.full((32, H * K - ept2), N, jnp.int32)
    src_w2 = jnp.concatenate([src.reshape(32, ept2), pad2], axis=1).reshape(32, H, K)
    dst_w2 = jnp.concatenate([dst.reshape(32, ept2), pad2], axis=1).reshape(32, H, K)

    zeros_vec = jnp.zeros((K,), jnp.float32)
    zeros_slab = jnp.zeros((SLAB, 128), jnp.float32)

    deg2 = _make_deg_kernel()(dst_w1[:16], zeros_vec)
    deg = deg2[0, :N_PAD].reshape(N_PAD, 1)

    g1 = _tc1(deg, x_pad, W1)
    s1 = _make_agg_kernel(2)(g1.reshape(2 * N_PAD, 128), src_w1, dst_w1,
                             zeros_slab)
    g2 = _tc2(deg, s1, g1, W2)
    s2 = _make_agg_kernel(1)(g2, src_w2, dst_w2, zeros_slab)
    out = _tc3(deg, s2, g2)
    return out[:N]

# --- scband reference (transcript-rebuilt; emitter-appended) ---
"""Pipeline reference for scband-gcn-74234214744806 (READ-ONLY COPY).

The authoritative reference and input builder live on the scoring server;
editing this copy changes nothing except your own understanding.
"""

import jax, jax.numpy as jnp
import numpy as np

N_NODES = 10000
N_EDGES = 160000
D_IN = 256
D_OUT = 64


def setup_inputs(seed: int = 0) -> dict:
    key = jax.random.key(seed)
    k1, k2, k3, k4 = jax.random.split(key, 4)
    x = jax.random.normal(k1, (N_NODES, D_IN), dtype=jnp.float32)
    edge_index = jax.random.randint(k2, (2, N_EDGES), 0, N_NODES).astype(jnp.int32)
    # GCNConv(inFeatures, inFeatures, bias=False) and GCNConv(inFeatures, out, bias=False)
    # glorot-style init for weights
    W1 = jax.random.normal(k3, (D_IN, D_IN), dtype=jnp.float32) * (1.0 / np.sqrt(D_IN))
    W2 = jax.random.normal(k4, (D_IN, D_OUT), dtype=jnp.float32) * (1.0 / np.sqrt(D_IN))
    return {"x": x, "edge_index": edge_index, "W1": W1, "W2": W2}


def _gcn_conv(x, edge_index, W):
    # Faithful PyG GCNConv (bias=False): x' = D^{-1/2} (A + I) D^{-1/2} (x W)
    n = x.shape[0]
    src = edge_index[0]
    dst = edge_index[1]
    loop = jnp.arange(n, dtype=src.dtype)
    src = jnp.concatenate([src, loop])
    dst = jnp.concatenate([dst, loop])
    deg = jnp.zeros((n,), dtype=x.dtype).at[dst].add(1.0)
    dinv_sqrt = jnp.where(deg > 0, jax.lax.rsqrt(jnp.maximum(deg, 1e-12)), 0.0)
    norm = dinv_sqrt[src] * dinv_sqrt[dst]
    h = x @ W
    msg = h[src] * norm[:, None]
    out = jnp.zeros((n, W.shape[1]), dtype=x.dtype).at[dst].add(msg)
    return out


def reference(x, edge_index, W1, W2):
    h = _gcn_conv(x, edge_index, W1)
    h = jax.nn.relu(h)
    # F.dropout(training=False) is identity at inference
    h = _gcn_conv(h, edge_index, W2)
    return jax.nn.softmax(h, axis=1)

if __name__ == "__main__":
    import jax
    _d = setup_inputs()
    print(jax.jit(kernel)(*tuple(_d.values())))

</pallas_src>

<mosaic_0001>
#map = affine_map<(d0, d1) -> (0, 0)>
#map1 = affine_map<(d0, d1) -> (0, 0, 0)>
module attributes {stable_mosaic.version = 14 : i64} {
  func.func @_agg_body(%arg0: i32, %arg1: i32, %arg2: memref<10240x128xf32, #tpu.memory_space<hbm>>, %arg3: memref<32x40x128xi32, #tpu.memory_space<hbm>>, %arg4: memref<32x40x128xi32, #tpu.memory_space<hbm>>, %arg5: memref<640x128xf32, #tpu.memory_space<hbm>>, %arg6: memref<2x10240x128xf32, #tpu.memory_space<hbm>>, %arg7: memref<40x128xi32, #tpu.memory_space<vmem>>, %arg8: memref<40x128xi32, #tpu.memory_space<vmem>>, %arg9: memref<128x128xf32, #tpu.memory_space<vmem>>, %arg10: memref<128x128xf32, #tpu.memory_space<vmem>>, %arg11: memref<10240x128xf32, #tpu.memory_space<vmem_shared>>, %arg12: memref<!tpu.dma_semaphore, #tpu.memory_space<semaphore_mem>>, %arg13: memref<!tpu.dma_semaphore, #tpu.memory_space<semaphore_mem>>) attributes {dimension_semantics = [#tpu.dimension_semantics<core_parallel>, #tpu.dimension_semantics<subcore_parallel>], iteration_bounds = array<i64: 2, 16>, scalar_prefetch = 0 : i64, scratch_operands = 7 : i64, tpu.core_type = #tpu.core_type<sc_vector_subcore>, window_params = [{transform_indices = #map}, {transform_indices = #map1}, {transform_indices = #map1}, {transform_indices = #map}, {transform_indices = #map1}]} {
    %mul3A = arith.constant 16 : i32
    %mul3A_0 = arith.muli %arg0, %mul3A : i32
    %add3A = arith.addi %mul3A_0, %arg1 : i32
    %mul3A_1 = arith.constant 16 : i32
    %mul3A_2 = arith.muli %arg0, %mul3A_1 : i32
    %add3A_3 = arith.addi %mul3A_2, %arg1 : i32
    %mul3A_4 = arith.constant 640 : i32
    %mul3A_5 = arith.muli %add3A_3, %mul3A_4 : i32
    %mul3A_6 = arith.constant 640 : i32
    %mul3A_7 = arith.muli %arg1, %mul3A_6 : i32
    "tpu.region"() ({
      %run_scoped3A = tpu.sem_alloc : memref<!tpu.dma_semaphore, #tpu.memory_space<semaphore_mem>>
      %dma_start3A_30 = arith.constant 0 : i32
      %dma_start3A_31 = tpu.memref_slice %arg11[%mul3A_7, %dma_start3A_30] : memref<10240x128xf32, #tpu.memory_space<vmem_shared>> -> memref<640x128xf32, #tpu.memory_space<vmem_shared>>
      %dma_start3A_32 = arith.constant 0 : i32
      %dma_start3A_33 = tpu.memref_slice %arg2[%mul3A_5, %dma_start3A_32] : memref<10240x128xf32, #tpu.memory_space<hbm>> -> memref<640x128xf32, #tpu.memory_space<hbm>>
      tpu.enqueue_dma source(%dma_start3A_33 : memref<640x128xf32, #tpu.memory_space<hbm>>) target(%dma_start3A_31 : memref<640x128xf32, #tpu.memory_space<vmem_shared>>) target_semaphore(%run_scoped3A : memref<!tpu.dma_semaphore, #tpu.memory_space<semaphore_mem>>)
      %dma_wait3A_34 = arith.constant 0 : i32
      %dma_wait3A_35 = tpu.memref_slice %arg11[%mul3A_7, %dma_wait3A_34] : memref<10240x128xf32, #tpu.memory_space<vmem_shared>> -> memref<640x128xf32, #tpu.memory_space<vmem_shared>>
      %dma_wait3A_36 = arith.constant 0 : i32
      %dma_wait3A_37 = tpu.memref_slice %arg2[%mul3A_5, %dma_wait3A_36] : memref<10240x128xf32, #tpu.memory_space<hbm>> -> memref<640x128xf32, #tpu.memory_space<hbm>>
      tpu.wait_dma2 semaphore(%run_scoped3A : memref<!tpu.dma_semaphore, #tpu.memory_space<semaphore_mem>>) src(%dma_wait3A_37 : memref<640x128xf32, #tpu.memory_space<hbm>>) dst(%dma_wait3A_35 : memref<640x128xf32, #tpu.memory_space<vmem_shared>>)
      tpu.yield
    }) : () -> ()
    %barrier3A = arith.constant 0 : index
    tpu.barrier barrier_id(%barrier3A)
    "tpu.region"() ({
      %run_scoped3A = tpu.sem_alloc : memref<!tpu.dma_semaphore, #tpu.memory_space<semaphore_mem>>
      %dma_start3A_30 = arith.constant 0 : i32
      %dma_start3A_31 = arith.constant 0 : i32
      %dma_start3A_32 = tpu.memref_slice %arg3[%add3A, %dma_start3A_30, %dma_start3A_31] : memref<32x40x128xi32, #tpu.memory_space<hbm>> -> memref<1x40x128xi32, #tpu.memory_space<hbm>>
      %dma_start3A_33 = tpu.memref_squeeze %dma_start3A_32 : memref<1x40x128xi32, #tpu.memory_space<hbm>> -> memref<40x128xi32, #tpu.memory_space<hbm>>
      %dma_start3A_34 = arith.constant 0 : i32
      %dma_start3A_35 = arith.constant 0 : i32
      %dma_start3A_36 = tpu.memref_slice %arg3[%add3A, %dma_start3A_34, %dma_start3A_35] : memref<32x40x128xi32, #tpu.memory_space<hbm>> -> memref<1x40x128xi32, #tpu.memory_space<hbm>>
      %dma_start3A_37 = tpu.memref_squeeze %dma_start3A_36 : memref<1x40x128xi32, #tpu.memory_space<hbm>> -> memref<40x128xi32, #tpu.memory_space<hbm>>
      tpu.enqueue_dma source(%dma_start3A_37 : memref<40x128xi32, #tpu.memory_space<hbm>>) target(%arg7 : memref<40x128xi32, #tpu.memory_space<vmem>>) target_semaphore(%run_scoped3A : memref<!tpu.dma_semaphore, #tpu.memory_space<semaphore_mem>>)
      %dma_wait3A_38 = arith.constant 0 : i32
      %dma_wait3A_39 = arith.constant 0 : i32
      %dma_wait3A_40 = tpu.memref_slice %arg3[%add3A, %dma_wait3A_38, %dma_wait3A_39] : memref<32x40x128xi32, #tpu.memory_space<hbm>> -> memref<1x40x128xi32, #tpu.memory_space<hbm>>
      %dma_wait3A_41 = tpu.memref_squeeze %dma_wait3A_40 : memref<1x40x128xi32, #tpu.memory_space<hbm>> -> memref<40x128xi32, #tpu.memory_space<hbm>>
      %dma_wait3A_42 = arith.constant 0 : i32
      %dma_wait3A_43 = arith.constant 0 : i32
      %dma_wait3A_44 = tpu.memref_slice %arg3[%add3A, %dma_wait3A_42, %dma_wait3A_43] : memref<32x40x128xi32, #tpu.memory_space<hbm>> -> memref<1x40x128xi32, #tpu.memory_space<hbm>>
      %dma_wait3A_45 = tpu.memref_squeeze %dma_wait3A_44 : memref<1x40x128xi32, #tpu.memory_space<hbm>> -> memref<40x128xi32, #tpu.memory_space<hbm>>
      tpu.wait_dma2 semaphore(%run_scoped3A : memref<!tpu.dma_semaphore, #tpu.memory_space<semaphore_mem>>) src(%dma_wait3A_45 : memref<40x128xi32, #tpu.memory_space<hbm>>) dst(%arg7 : memref<40x128xi32, #tpu.memory_space<vmem>>)
      tpu.yield
    }) : () -> ()
    "tpu.region"() ({
      %run_scoped3A = tpu.sem_alloc : memref<!tpu.dma_semaphore, #tpu.memory_space<semaphore_mem>>
      %dma_start3A_30 = arith.constant 0 : i32
      %dma_start3A_31 = arith.constant 0 : i32
      %dma_start3A_32 = tpu.memref_slice %arg4[%add3A, %dma_start3A_30, %dma_start3A_31] : memref<32x40x128xi32, #tpu.memory_space<hbm>> -> memref<1x40x128xi32, #tpu.memory_space<hbm>>
      %dma_start3A_33 = tpu.memref_squeeze %dma_start3A_32 : memref<1x40x128xi32, #tpu.memory_space<hbm>> -> memref<40x128xi32, #tpu.memory_space<hbm>>
      %dma_start3A_34 = arith.constant 0 : i32
      %dma_start3A_35 = arith.constant 0 : i32
      %dma_start3A_36 = tpu.memref_slice %arg4[%add3A, %dma_start3A_34, %dma_start3A_35] : memref<32x40x128xi32, #tpu.memory_space<hbm>> -> memref<1x40x128xi32, #tpu.memory_space<hbm>>
      %dma_start3A_37 = tpu.memref_squeeze %dma_start3A_36 : memref<1x40x128xi32, #tpu.memory_space<hbm>> -> memref<40x128xi32, #tpu.memory_space<hbm>>
      tpu.enqueue_dma source(%dma_start3A_37 : memref<40x128xi32, #tpu.memory_space<hbm>>) target(%arg8 : memref<40x128xi32, #tpu.memory_space<vmem>>) target_semaphore(%run_scoped3A : memref<!tpu.dma_semaphore, #tpu.memory_space<semaphore_mem>>)
      %dma_wait3A_38 = arith.constant 0 : i32
      %dma_wait3A_39 = arith.constant 0 : i32
      %dma_wait3A_40 = tpu.memref_slice %arg4[%add3A, %dma_wait3A_38, %dma_wait3A_39] : memref<32x40x128xi32, #tpu.memory_space<hbm>> -> memref<1x40x128xi32, #tpu.memory_space<hbm>>
      %dma_wait3A_41 = tpu.memref_squeeze %dma_wait3A_40 : memref<1x40x128xi32, #tpu.memory_space<hbm>> -> memref<40x128xi32, #tpu.memory_space<hbm>>
      %dma_wait3A_42 = arith.constant 0 : i32
      %dma_wait3A_43 = arith.constant 0 : i32
      %dma_wait3A_44 = tpu.memref_slice %arg4[%add3A, %dma_wait3A_42, %dma_wait3A_43] : memref<32x40x128xi32, #tpu.memory_space<hbm>> -> memref<1x40x128xi32, #tpu.memory_space<hbm>>
      %dma_wait3A_45 = tpu.memref_squeeze %dma_wait3A_44 : memref<1x40x128xi32, #tpu.memory_space<hbm>> -> memref<40x128xi32, #tpu.memory_space<hbm>>
      tpu.wait_dma2 semaphore(%run_scoped3A : memref<!tpu.dma_semaphore, #tpu.memory_space<semaphore_mem>>) src(%dma_wait3A_45 : memref<40x128xi32, #tpu.memory_space<hbm>>) dst(%arg8 : memref<40x128xi32, #tpu.memory_space<vmem>>)
      tpu.yield
    }) : () -> ()
    %dma_start3A = arith.constant 0 : i32
    %dma_start3A_8 = arith.constant 0 : i32
    %dma_start3A_9 = tpu.memref_slice %arg7[%dma_start3A, %dma_start3A_8] : memref<40x128xi32, #tpu.memory_space<vmem>> -> memref<1x128xi32, #tpu.memory_space<vmem>>
    %dma_start3A_10 = tpu.memref_squeeze %dma_start3A_9 : memref<1x128xi32, #tpu.memory_space<vmem>> -> memref<128xi32, #tpu.memory_space<vmem>>
    %dma_start3A_11 = arith.constant 0 : i32
    %dma_start3A_12 = arith.constant 0 : i32
    %dma_start3A_13 = tpu.memref_slice %arg11[%dma_start3A_11, %dma_start3A_12] : memref<10240x128xf32, #tpu.memory_space<vmem_shared>> -> memref<10240x128xf32, #tpu.memory_space<vmem_shared>>
    tpu.enqueue_indirect_dma source(%dma_start3A_13 : memref<10240x128xf32, #tpu.memory_space<vmem_shared>>) target(%arg9 : memref<128x128xf32, #tpu.memory_space<vmem>>) offsets(%dma_start3A_10 : memref<128xi32, #tpu.memory_space<vmem>>) semaphore(%arg12 : memref<!tpu.dma_semaphore, #tpu.memory_space<semaphore_mem>>)
    %scan3A = arith.constant 0 : i32
    %scan3A_14 = arith.constant 0 : i32
    %scan3A_15 = arith.constant 20 : i32
    %scan3A_16 = arith.addi %scan3A_14, %scan3A_15 : i32
    %scan3A_17 = arith.constant 1 : i32
    scf.for %scan3A_30 = %scan3A_14 to %scan3A_16 step %scan3A_17  : i32 {
      %mul3A_31 = arith.constant 2 : i32
      %mul3A_32 = arith.muli %mul3A_31, %scan3A_30 : i32
      %mul3A_33 = arith.constant 2 : i32
      %mul3A_34 = arith.muli %mul3A_33, %scan3A_30 : i32
      %add3A_35 = arith.constant 1 : i32
      %add3A_36 = arith.addi %mul3A_34, %add3A_35 : i32
      %dma_start3A_37 = arith.constant 0 : i32
      %dma_start3A_38 = tpu.memref_slice %arg7[%add3A_36, %dma_start3A_37] : memref<40x128xi32, #tpu.memory_space<vmem>> -> memref<1x128xi32, #tpu.memory_space<vmem>>
      %dma_start3A_39 = tpu.memref_squeeze %dma_start3A_38 : memref<1x128xi32, #tpu.memory_space<vmem>> -> memref<128xi32, #tpu.memory_space<vmem>>
      %dma_start3A_40 = arith.constant 0 : i32
      %dma_start3A_41 = arith.constant 0 : i32
      %dma_start3A_42 = tpu.memref_slice %arg11[%dma_start3A_40, %dma_start3A_41] : memref<10240x128xf32, #tpu.memory_space<vmem_shared>> -> memref<10240x128xf32, #tpu.memory_space<vmem_shared>>
      tpu.enqueue_indirect_dma source(%dma_start3A_42 : memref<10240x128xf32, #tpu.memory_space<vmem_shared>>) target(%arg10 : memref<128x128xf32, #tpu.memory_space<vmem>>) offsets(%dma_start3A_39 : memref<128xi32, #tpu.memory_space<vmem>>) semaphore(%arg13 : memref<!tpu.dma_semaphore, #tpu.memory_space<semaphore_mem>>)
      %dma_wait3A_43 = arith.constant 0 : i32
      %dma_wait3A_44 = arith.constant 0 : i32
      %dma_wait3A_45 = tpu.memref_slice %arg7[%dma_wait3A_43, %dma_wait3A_44] : memref<40x128xi32, #tpu.memory_space<vmem>> -> memref<1x128xi32, #tpu.memory_space<vmem>>
      %dma_wait3A_46 = tpu.memref_squeeze %dma_wait3A_45 : memref<1x128xi32, #tpu.memory_space<vmem>> -> memref<128xi32, #tpu.memory_space<vmem>>
      %dma_wait3A_47 = arith.constant 0 : i32
      %dma_wait3A_48 = arith.constant 0 : i32
      %dma_wait3A_49 = tpu.memref_slice %arg11[%dma_wait3A_47, %dma_wait3A_48] : memref<10240x128xf32, #tpu.memory_space<vmem_shared>> -> memref<10240x128xf32, #tpu.memory_space<vmem_shared>>
      tpu.wait_indirect_dma semaphore(%arg12 : memref<!tpu.dma_semaphore, #tpu.memory_space<semaphore_mem>>) src(%dma_wait3A_49 : memref<10240x128xf32, #tpu.memory_space<vmem_shared>>) dst(%arg9 : memref<128x128xf32, #tpu.memory_space<vmem>>)
      %add3A_50 = arith.constant 1 : i32
      %add3A_51 = arith.addi %add3A_36, %add3A_50 : i32
      %lt3A = arith.constant 40 : i32
      %lt3A_52 = arith.cmpi slt, %add3A_51, %lt3A : i32
      %add3A_53 = arith.constant 1 : i32
      %add3A_54 = arith.addi %add3A_36, %add3A_53 : i32
      %jit3A = arith.constant 0 : i32
      %select_n3A = arith.select %lt3A_52, %add3A_54, %jit3A : i32
      %dma_start3A_55 = arith.constant 0 : i32
      %dma_start3A_56 = tpu.memref_slice %arg7[%select_n3A, %dma_start3A_55] : memref<40x128xi32, #tpu.memory_space<vmem>> -> memref<1x128xi32, #tpu.memory_space<vmem>>
      %dma_start3A_57 = tpu.memref_squeeze %dma_start3A_56 : memref<1x128xi32, #tpu.memory_space<vmem>> -> memref<128xi32, #tpu.memory_space<vmem>>
      %dma_start3A_58 = arith.constant 0 : i32
      %dma_start3A_59 = arith.constant 0 : i32
      %dma_start3A_60 = tpu.memref_slice %arg11[%dma_start3A_58, %dma_start3A_59] : memref<10240x128xf32, #tpu.memory_space<vmem_shared>> -> memref<10240x128xf32, #tpu.memory_space<vmem_shared>>
      tpu.enqueue_indirect_dma source(%dma_start3A_60 : memref<10240x128xf32, #tpu.memory_space<vmem_shared>>) target(%arg9 : memref<128x128xf32, #tpu.memory_space<vmem>>) offsets(%dma_start3A_57 : memref<128xi32, #tpu.memory_space<vmem>>) semaphore(%arg12 : memref<!tpu.dma_semaphore, #tpu.memory_space<semaphore_mem>>)
      %dma_wait3A_61 = arith.constant 0 : i32
      %dma_wait3A_62 = arith.constant 0 : i32
      %dma_wait3A_63 = tpu.memref_slice %arg7[%dma_wait3A_61, %dma_wait3A_62] : memref<40x128xi32, #tpu.memory_space<vmem>> -> memref<1x128xi32, #tpu.memory_space<vmem>>
      %dma_wait3A_64 = tpu.memref_squeeze %dma_wait3A_63 : memref<1x128xi32, #tpu.memory_space<vmem>> -> memref<128xi32, #tpu.memory_space<vmem>>
      %dma_wait3A_65 = arith.constant 0 : i32
      %dma_wait3A_66 = arith.constant 0 : i32
      %dma_wait3A_67 = tpu.memref_slice %arg11[%dma_wait3A_65, %dma_wait3A_66] : memref<10240x128xf32, #tpu.memory_space<vmem_shared>> -> memref<10240x128xf32, #tpu.memory_space<vmem_shared>>
      tpu.wait_indirect_dma semaphore(%arg13 : memref<!tpu.dma_semaphore, #tpu.memory_space<semaphore_mem>>) src(%dma_wait3A_67 : memref<10240x128xf32, #tpu.memory_space<vmem_shared>>) dst(%arg10 : memref<128x128xf32, #tpu.memory_space<vmem>>)
    }
    %scan3A_18 = arith.constant 20 : i32
    %dma_wait3A = arith.constant 0 : i32
    %dma_wait3A_19 = arith.constant 0 : i32
    %dma_wait3A_20 = tpu.memref_slice %arg7[%dma_wait3A, %dma_wait3A_19] : memref<40x128xi32, #tpu.memory_space<vmem>> -> memref<1x128xi32, #tpu.memory_space<vmem>>
    %dma_wait3A_21 = tpu.memref_squeeze %dma_wait3A_20 : memref<1x128xi32, #tpu.memory_space<vmem>> -> memref<128xi32, #tpu.memory_space<vmem>>
    %dma_wait3A_22 = arith.constant 0 : i32
    %dma_wait3A_23 = arith.constant 0 : i32
    %dma_wait3A_24 = tpu.memref_slice %arg11[%dma_wait3A_22, %dma_wait3A_23] : memref<10240x128xf32, #tpu.memory_space<vmem_shared>> -> memref<10240x128xf32, #tpu.memory_space<vmem_shared>>
    tpu.wait_indirect_dma semaphore(%arg12 : memref<!tpu.dma_semaphore, #tpu.memory_space<semaphore_mem>>) src(%dma_wait3A_24 : memref<10240x128xf32, #tpu.memory_space<vmem_shared>>) dst(%arg9 : memref<128x128xf32, #tpu.memory_space<vmem>>)
    %barrier3A_25 = arith.constant 0 : index
    tpu.barrier barrier_id(%barrier3A_25)
    %mul3A_26 = arith.constant 640 : i32
    %mul3A_27 = arith.muli %arg1, %mul3A_26 : i32
    %mul3A_28 = arith.constant 640 : i32
    %mul3A_29 = arith.muli %arg1, %mul3A_28 : i32
    "tpu.region"() ({
      %run_scoped3A = tpu.sem_alloc : memref<!tpu.dma_semaphore, #tpu.memory_space<semaphore_mem>>
      %dma_start3A_30 = arith.constant 0 : i32
      %dma_start3A_31 = tpu.memref_slice %arg6[%arg0, %mul3A_29, %dma_start3A_30] : memref<2x10240x128xf32, #tpu.memory_space<hbm>> -> memref<1x640x128xf32, #tpu.memory_space<hbm>>
      %dma_start3A_32 = tpu.memref_squeeze %dma_start3A_31 : memref<1x640x128xf32, #tpu.memory_space<hbm>> -> memref<640x128xf32, #tpu.memory_space<hbm>>
      %dma_start3A_33 = arith.constant 0 : i32
      %dma_start3A_34 = tpu.memref_slice %arg11[%mul3A_27, %dma_start3A_33] : memref<10240x128xf32, #tpu.memory_space<vmem_shared>> -> memref<640x128xf32, #tpu.memory_space<vmem_shared>>
      tpu.enqueue_dma source(%dma_start3A_34 : memref<640x128xf32, #tpu.memory_space<vmem_shared>>) target(%dma_start3A_32 : memref<640x128xf32, #tpu.memory_space<hbm>>) target_semaphore(%run_scoped3A : memref<!tpu.dma_semaphore, #tpu.memory_space<semaphore_mem>>)
      %dma_wait3A_35 = arith.constant 0 : i32
      %dma_wait3A_36 = tpu.memref_slice %arg6[%arg0, %mul3A_29, %dma_wait3A_35] : memref<2x10240x128xf32, #tpu.memory_space<hbm>> -> memref<1x640x128xf32, #tpu.memory_space<hbm>>
      %dma_wait3A_37 = tpu.memref_squeeze %dma_wait3A_36 : memref<1x640x128xf32, #tpu.memory_space<hbm>> -> memref<640x128xf32, #tpu.memory_space<hbm>>
      %dma_wait3A_38 = arith.constant 0 : i32
      %dma_wait3A_39 = tpu.memref_slice %arg11[%mul3A_27, %dma_wait3A_38] : memref<10240x128xf32, #tpu.memory_space<vmem_shared>> -> memref<640x128xf32, #tpu.memory_space<vmem_shared>>
      tpu.wait_dma2 semaphore(%run_scoped3A : memref<!tpu.dma_semaphore, #tpu.memory_space<semaphore_mem>>) src(%dma_wait3A_39 : memref<640x128xf32, #tpu.memory_space<vmem_shared>>) dst(%dma_wait3A_37 : memref<640x128xf32, #tpu.memory_space<hbm>>)
      tpu.yield
    }) : () -> ()
    return
  }
}

#map = affine_map<(d0, d1) -> (0, 0, 0)>
#map1 = affine_map<(d0, d1) -> (0)>
#map2 = affine_map<(d0, d1) -> (0, 0)>
module attributes {stable_mosaic.version = 14 : i64} {
  func.func @_deg_body(%arg0: i32, %arg1: i32, %arg2: memref<16x80x128xi32, #tpu.memory_space<hbm>>, %arg3: memref<128xf32, #tpu.memory_space<hbm>>, %arg4: memref<2x10240xf32, #tpu.memory_space<hbm>>, %arg5: memref<80x128xi32, #tpu.memory_space<vmem>>, %arg6: memref<128xf32, #tpu.memory_space<vmem>>, %arg7: memref<10240xf32, #tpu.memory_space<vmem_shared>>) attributes {dimension_semantics = [#tpu.dimension_semantics<core_parallel>, #tpu.dimension_semantics<subcore_parallel>], iteration_bounds = array<i64: 2, 16>, scalar_prefetch = 0 : i64, scratch_operands = 3 : i64, tpu.core_type = #tpu.core_type<sc_vector_subcore>, window_params = [{transform_indices = #map}, {transform_indices = #map1}, {transform_indices = #map2}]} {
    %mul3A = arith.constant 640 : i32
    %mul3A_0 = arith.muli %arg1, %mul3A : i32
    %add3A = arith.constant 0 : i32
    %add3A_1 = arith.addi %mul3A_0, %add3A : i32
    "tpu.region"() ({
      %run_scoped3A = tpu.sem_alloc : memref<!tpu.dma_semaphore, #tpu.memory_space<semaphore_mem>>
      %dma_start3A = tpu.memref_slice %arg7[%add3A_1] : memref<10240xf32, #tpu.memory_space<vmem_shared>> -> memref<128xf32, #tpu.memory_space<vmem_shared>>
      tpu.enqueue_dma source(%arg3 : memref<128xf32, #tpu.memory_space<hbm>>) target(%dma_start3A : memref<128xf32, #tpu.memory_space<vmem_shared>>) target_semaphore(%run_scoped3A : memref<!tpu.dma_semaphore, #tpu.memory_space<semaphore_mem>>)
      %dma_wait3A = tpu.memref_slice %arg7[%add3A_1] : memref<10240xf32, #tpu.memory_space<vmem_shared>> -> memref<128xf32, #tpu.memory_space<vmem_shared>>
      tpu.wait_dma2 semaphore(%run_scoped3A : memref<!tpu.dma_semaphore, #tpu.memory_space<semaphore_mem>>) src(%arg3 : memref<128xf32, #tpu.memory_space<hbm>>) dst(%dma_wait3A : memref<128xf32, #tpu.memory_space<vmem_shared>>)
      tpu.yield
    }) : () -> ()
    %mul3A_2 = arith.constant 640 : i32
    %mul3A_3 = arith.muli %arg1, %mul3A_2 : i32
    %add3A_4 = arith.constant 128 : i32
    %add3A_5 = arith.addi %mul3A_3, %add3A_4 : i32
    "tpu.region"() ({
      %run_scoped3A = tpu.sem_alloc : memref<!tpu.dma_semaphore, #tpu.memory_space<semaphore_mem>>
      %dma_start3A = tpu.memref_slice %arg7[%add3A_5] : memref<10240xf32, #tpu.memory_space<vmem_shared>> -> memref<128xf32, #tpu.memory_space<vmem_shared>>
      tpu.enqueue_dma source(%arg3 : memref<128xf32, #tpu.memory_space<hbm>>) target(%dma_start3A : memref<128xf32, #tpu.memory_space<vmem_shared>>) target_semaphore(%run_scoped3A : memref<!tpu.dma_semaphore, #tpu.memory_space<semaphore_mem>>)
      %dma_wait3A = tpu.memref_slice %arg7[%add3A_5] : memref<10240xf32, #tpu.memory_space<vmem_shared>> -> memref<128xf32, #tpu.memory_space<vmem_shared>>
      tpu.wait_dma2 semaphore(%run_scoped3A : memref<!tpu.dma_semaphore, #tpu.memory_space<semaphore_mem>>) src(%arg3 : memref<128xf32, #tpu.memory_space<hbm>>) dst(%dma_wait3A : memref<128xf32, #tpu.memory_space<vmem_shared>>)
      tpu.yield
    }) : () -> ()
    %mul3A_6 = arith.constant 640 : i32
    %mul3A_7 = arith.muli %arg1, %mul3A_6 : i32
    %add3A_8 = arith.constant 256 : i32
    %add3A_9 = arith.addi %mul3A_7, %add3A_8 : i32
    "tpu.region"() ({
      %run_scoped3A = tpu.sem_alloc : memref<!tpu.dma_semaphore, #tpu.memory_space<semaphore_mem>>
      %dma_start3A = tpu.memref_slice %arg7[%add3A_9] : memref<10240xf32, #tpu.memory_space<vmem_shared>> -> memref<128xf32, #tpu.memory_space<vmem_shared>>
      tpu.enqueue_dma source(%arg3 : memref<128xf32, #tpu.memory_space<hbm>>) target(%dma_start3A : memref<128xf32, #tpu.memory_space<vmem_shared>>) target_semaphore(%run_scoped3A : memref<!tpu.dma_semaphore, #tpu.memory_space<semaphore_mem>>)
      %dma_wait3A = tpu.memref_slice %arg7[%add3A_9] : memref<10240xf32, #tpu.memory_space<vmem_shared>> -> memref<128xf32, #tpu.memory_space<vmem_shared>>
      tpu.wait_dma2 semaphore(%run_scoped3A : memref<!tpu.dma_semaphore, #tpu.memory_space<semaphore_mem>>) src(%arg3 : memref<128xf32, #tpu.memory_space<hbm>>) dst(%dma_wait3A : memref<128xf32, #tpu.memory_space<vmem_shared>>)
      tpu.yield
    }) : () -> ()
    %mul3A_10 = arith.constant 640 : i32
    %mul3A_11 = arith.muli %arg1, %mul3A_10 : i32
    %add3A_12 = arith.constant 384 : i32
    %add3A_13 = arith.addi %mul3A_11, %add3A_12 : i32
    "tpu.region"() ({
      %run_scoped3A = tpu.sem_alloc : memref<!tpu.dma_semaphore, #tpu.memory_space<semaphore_mem>>
      %dma_start3A = tpu.memref_slice %arg7[%add3A_13] : memref<10240xf32, #tpu.memory_space<vmem_shared>> -> memref<128xf32, #tpu.memory_space<vmem_shared>>
      tpu.enqueue_dma source(%arg3 : memref<128xf32, #tpu.memory_space<hbm>>) target(%dma_start3A : memref<128xf32, #tpu.memory_space<vmem_shared>>) target_semaphore(%run_scoped3A : memref<!tpu.dma_semaphore, #tpu.memory_space<semaphore_mem>>)
      %dma_wait3A = tpu.memref_slice %arg7[%add3A_13] : memref<10240xf32, #tpu.memory_space<vmem_shared>> -> memref<128xf32, #tpu.memory_space<vmem_shared>>
      tpu.wait_dma2 semaphore(%run_scoped3A : memref<!tpu.dma_semaphore, #tpu.memory_space<semaphore_mem>>) src(%arg3 : memref<128xf32, #tpu.memory_space<hbm>>) dst(%dma_wait3A : memref<128xf32, #tpu.memory_space<vmem_shared>>)
      tpu.yield
    }) : () -> ()
    %mul3A_14 = arith.constant 640 : i32
    %mul3A_15 = arith.muli %arg1, %mul3A_14 : i32
    %add3A_16 = arith.constant 512 : i32
    %add3A_17 = arith.addi %mul3A_15, %add3A_16 : i32
    "tpu.region"() ({
      %run_scoped3A = tpu.sem_alloc : memref<!tpu.dma_semaphore, #tpu.memory_space<semaphore_mem>>
      %dma_start3A = tpu.memref_slice %arg7[%add3A_17] : memref<10240xf32, #tpu.memory_space<vmem_shared>> -> memref<128xf32, #tpu.memory_space<vmem_shared>>
      tpu.enqueue_dma source(%arg3 : memref<128xf32, #tpu.memory_space<hbm>>) target(%dma_start3A : memref<128xf32, #tpu.memory_space<vmem_shared>>) target_semaphore(%run_scoped3A : memref<!tpu.dma_semaphore, #tpu.memory_space<semaphore_mem>>)
      %dma_wait3A = tpu.memref_slice %arg7[%add3A_17] : memref<10240xf32, #tpu.memory_space<vmem_shared>> -> memref<128xf32, #tpu.memory_space<vmem_shared>>
      tpu.wait_dma2 semaphore(%run_scoped3A : memref<!tpu.dma_semaphore, #tpu.memory_space<semaphore_mem>>) src(%arg3 : memref<128xf32, #tpu.memory_space<hbm>>) dst(%dma_wait3A : memref<128xf32, #tpu.memory_space<vmem_shared>>)
      tpu.yield
    }) : () -> ()
    "tpu.region"() ({
      %run_scoped3A = tpu.sem_alloc : memref<!tpu.dma_semaphore, #tpu.memory_space<semaphore_mem>>
      %dma_start3A = arith.constant 0 : i32
      %dma_start3A_74 = arith.constant 0 : i32
      %dma_start3A_75 = tpu.memref_slice %arg2[%arg1, %dma_start3A, %dma_start3A_74] : memref<16x80x128xi32, #tpu.memory_space<hbm>> -> memref<1x80x128xi32, #tpu.memory_space<hbm>>
      %dma_start3A_76 = tpu.memref_squeeze %dma_start3A_75 : memref<1x80x128xi32, #tpu.memory_space<hbm>> -> memref<80x128xi32, #tpu.memory_space<hbm>>
      %dma_start3A_77 = arith.constant 0 : i32
      %dma_start3A_78 = arith.constant 0 : i32
      %dma_start3A_79 = tpu.memref_slice %arg2[%arg1, %dma_start3A_77, %dma_start3A_78] : memref<16x80x128xi32, #tpu.memory_space<hbm>> -> memref<1x80x128xi32, #tpu.memory_space<hbm>>
      %dma_start3A_80 = tpu.memref_squeeze %dma_start3A_79 : memref<1x80x128xi32, #tpu.memory_space<hbm>> -> memref<80x128xi32, #tpu.memory_space<hbm>>
      tpu.enqueue_dma source(%dma_start3A_80 : memref<80x128xi32, #tpu.memory_space<hbm>>) target(%arg5 : memref<80x128xi32, #tpu.memory_space<vmem>>) target_semaphore(%run_scoped3A : memref<!tpu.dma_semaphore, #tpu.memory_space<semaphore_mem>>)
      %dma_wait3A = arith.constant 0 : i32
      %dma_wait3A_81 = arith.constant 0 : i32
      %dma_wait3A_82 = tpu.memref_slice %arg2[%arg1, %dma_wait3A, %dma_wait3A_81] : memref<16x80x128xi32, #tpu.memory_space<hbm>> -> memref<1x80x128xi32, #tpu.memory_space<hbm>>
      %dma_wait3A_83 = tpu.memref_squeeze %dma_wait3A_82 : memref<1x80x128xi32, #tpu.memory_space<hbm>> -> memref<80x128xi32, #tpu.memory_space<hbm>>
      %dma_wait3A_84 = arith.constant 0 : i32
      %dma_wait3A_85 = arith.constant 0 : i32
      %dma_wait3A_86 = tpu.memref_slice %arg2[%arg1, %dma_wait3A_84, %dma_wait3A_85] : memref<16x80x128xi32, #tpu.memory_space<hbm>> -> memref<1x80x128xi32, #tpu.memory_space<hbm>>
      %dma_wait3A_87 = tpu.memref_squeeze %dma_wait3A_86 : memref<1x80x128xi32, #tpu.memory_space<hbm>> -> memref<80x128xi32, #tpu.memory_space<hbm>>
      tpu.wait_dma2 semaphore(%run_scoped3A : memref<!tpu.dma_semaphore, #tpu.memory_space<semaphore_mem>>) src(%dma_wait3A_87 : memref<80x128xi32, #tpu.memory_space<hbm>>) dst(%arg5 : memref<80x128xi32, #tpu.memory_space<vmem>>)
      tpu.yield
    }) : () -> ()
    %broadcast_in_dim3A = arith.constant 1.000000e+00 : f32
    %broadcast_in_dim3A_18 = vector.broadcast %broadcast_in_dim3A : f32 to vector<16xf32>
    %swap3A = arith.constant 0 : index
    %swap3A_19 = tpu.vector_load %arg6[%swap3A] {strides = array<i32>} : memref<128xf32, #tpu.memory_space<vmem>>, vector<16xf32>,
    %swap3A_20 = vector.shape_cast %swap3A_19 : vector<16xf32> to vector<16xf32>
    %swap3A_21 = vector.shape_cast %broadcast_in_dim3A_18 : vector<16xf32> to vector<16xf32>
    tpu.vector_store %arg6[%swap3A], %swap3A_21 {strides = array<i32>} : memref<128xf32, #tpu.memory_space<vmem>>, vector<16xf32>,
    %broadcast_in_dim3A_22 = arith.constant 1.000000e+00 : f32
    %broadcast_in_dim3A_23 = vector.broadcast %broadcast_in_dim3A_22 : f32 to vector<16xf32>
    %swap3A_24 = arith.constant 16 : index
    %swap3A_25 = tpu.vector_load %arg6[%swap3A_24] {strides = array<i32>} : memref<128xf32, #tpu.memory_space<vmem>>, vector<16xf32>,
    %swap3A_26 = vector.shape_cast %swap3A_25 : vector<16xf32> to vector<16xf32>
    %swap3A_27 = vector.shape_cast %broadcast_in_dim3A_23 : vector<16xf32> to vector<16xf32>
    tpu.vector_store %arg6[%swap3A_24], %swap3A_27 {strides = array<i32>} : memref<128xf32, #tpu.memory_space<vmem>>, vector<16xf32>,
    %broadcast_in_dim3A_28 = arith.constant 1.000000e+00 : f32
    %broadcast_in_dim3A_29 = vector.broadcast %broadcast_in_dim3A_28 : f32 to vector<16xf32>
    %swap3A_30 = arith.constant 32 : index
    %swap3A_31 = tpu.vector_load %arg6[%swap3A_30] {strides = array<i32>} : memref<128xf32, #tpu.memory_space<vmem>>, vector<16xf32>,
    %swap3A_32 = vector.shape_cast %swap3A_31 : vector<16xf32> to vector<16xf32>
    %swap3A_33 = vector.shape_cast %broadcast_in_dim3A_29 : vector<16xf32> to vector<16xf32>
    tpu.vector_store %arg6[%swap3A_30], %swap3A_33 {strides = array<i32>} : memref<128xf32, #tpu.memory_space<vmem>>, vector<16xf32>,
    %broadcast_in_dim3A_34 = arith.constant 1.000000e+00 : f32
    %broadcast_in_dim3A_35 = vector.broadcast %broadcast_in_dim3A_34 : f32 to vector<16xf32>
    %swap3A_36 = arith.constant 48 : index
    %swap3A_37 = tpu.vector_load %arg6[%swap3A_36] {strides = array<i32>} : memref<128xf32, #tpu.memory_space<vmem>>, vector<16xf32>,
    %swap3A_38 = vector.shape_cast %swap3A_37 : vector<16xf32> to vector<16xf32>
    %swap3A_39 = vector.shape_cast %broadcast_in_dim3A_35 : vector<16xf32> to vector<16xf32>
    tpu.vector_store %arg6[%swap3A_36], %swap3A_39 {strides = array<i32>} : memref<128xf32, #tpu.memory_space<vmem>>, vector<16xf32>,
    %broadcast_in_dim3A_40 = arith.constant 1.000000e+00 : f32
    %broadcast_in_dim3A_41 = vector.broadcast %broadcast_in_dim3A_40 : f32 to vector<16xf32>
    %swap3A_42 = arith.constant 64 : index
    %swap3A_43 = tpu.vector_load %arg6[%swap3A_42] {strides = array<i32>} : memref<128xf32, #tpu.memory_space<vmem>>, vector<16xf32>,
    %swap3A_44 = vector.shape_cast %swap3A_43 : vector<16xf32> to vector<16xf32>
    %swap3A_45 = vector.shape_cast %broadcast_in_dim3A_41 : vector<16xf32> to vector<16xf32>
    tpu.vector_store %arg6[%swap3A_42], %swap3A_45 {strides = array<i32>} : memref<128xf32, #tpu.memory_space<vmem>>, vector<16xf32>,
    %broadcast_in_dim3A_46 = arith.constant 1.000000e+00 : f32
    %broadcast_in_dim3A_47 = vector.broadcast %broadcast_in_dim3A_46 : f32 to vector<16xf32>
    %swap3A_48 = arith.constant 80 : index
    %swap3A_49 = tpu.vector_load %arg6[%swap3A_48] {strides = array<i32>} : memref<128xf32, #tpu.memory_space<vmem>>, vector<16xf32>,
    %swap3A_50 = vector.shape_cast %swap3A_49 : vector<16xf32> to vector<16xf32>
    %swap3A_51 = vector.shape_cast %broadcast_in_dim3A_47 : vector<16xf32> to vector<16xf32>
    tpu.vector_store %arg6[%swap3A_48], %swap3A_51 {strides = array<i32>} : memref<128xf32, #tpu.memory_space<vmem>>, vector<16xf32>,
    %broadcast_in_dim3A_52 = arith.constant 1.000000e+00 : f32
    %broadcast_in_dim3A_53 = vector.broadcast %broadcast_in_dim3A_52 : f32 to vector<16xf32>
    %swap3A_54 = arith.constant 96 : index
    %swap3A_55 = tpu.vector_load %arg6[%swap3A_54] {strides = array<i32>} : memref<128xf32, #tpu.memory_space<vmem>>, vector<16xf32>,
    %swap3A_56 = vector.shape_cast %swap3A_55 : vector<16xf32> to vector<16xf32>
    %swap3A_57 = vector.shape_cast %broadcast_in_dim3A_53 : vector<16xf32> to vector<16xf32>
    tpu.vector_store %arg6[%swap3A_54], %swap3A_57 {strides = array<i32>} : memref<128xf32, #tpu.memory_space<vmem>>, vector<16xf32>,
    %broadcast_in_dim3A_58 = arith.constant 1.000000e+00 : f32
    %broadcast_in_dim3A_59 = vector.broadcast %broadcast_in_dim3A_58 : f32 to vector<16xf32>
    %swap3A_60 = arith.constant 112 : index
    %swap3A_61 = tpu.vector_load %arg6[%swap3A_60] {strides = array<i32>} : memref<128xf32, #tpu.memory_space<vmem>>, vector<16xf32>,
    %swap3A_62 = vector.shape_cast %swap3A_61 : vector<16xf32> to vector<16xf32>
    %swap3A_63 = vector.shape_cast %broadcast_in_dim3A_59 : vector<16xf32> to vector<16xf32>
    tpu.vector_store %arg6[%swap3A_60], %swap3A_63 {strides = array<i32>} : memref<128xf32, #tpu.memory_space<vmem>>, vector<16xf32>,
    %barrier3A = arith.constant 0 : index
    tpu.barrier barrier_id(%barrier3A)
    %scan3A = arith.constant 0 : i32
    %scan3A_64 = arith.constant 0 : i32
    %scan3A_65 = arith.constant 80 : i32
    %scan3A_66 = arith.addi %scan3A_64, %scan3A_65 : i32
    %scan3A_67 = arith.constant 1 : i32
    scf.for %scan3A_74 = %scan3A_64 to %scan3A_66 step %scan3A_67  : i32 {
      "tpu.region"() ({
        %run_scoped3A = tpu.sem_alloc : memref<!tpu.dma_semaphore, #tpu.memory_space<semaphore_mem>>
        %dma_start3A = arith.constant 0 : i32
        %dma_start3A_75 = tpu.memref_slice %arg5[%scan3A_74, %dma_start3A] : memref<80x128xi32, #tpu.memory_space<vmem>> -> memref<1x128xi32, #tpu.memory_space<vmem>>
        %dma_start3A_76 = tpu.memref_squeeze %dma_start3A_75 : memref<1x128xi32, #tpu.memory_space<vmem>> -> memref<128xi32, #tpu.memory_space<vmem>>
        %dma_start3A_77 = arith.constant 0 : i32
        %dma_start3A_78 = tpu.memref_slice %arg7[%dma_start3A_77] : memref<10240xf32, #tpu.memory_space<vmem_shared>> -> memref<10240xf32, #tpu.memory_space<vmem_shared>>
        tpu.enqueue_indirect_dma source(%arg6 : memref<128xf32, #tpu.memory_space<vmem>>) target(%dma_start3A_78 : memref<10240xf32, #tpu.memory_space<vmem_shared>>) offsets(%dma_start3A_76 : memref<128xi32, #tpu.memory_space<vmem>>) semaphore(%run_scoped3A : memref<!tpu.dma_semaphore, #tpu.memory_space<semaphore_mem>>) {add = true}
        %dma_wait3A = arith.constant 0 : i32
        %dma_wait3A_79 = tpu.memref_slice %arg5[%scan3A_74, %dma_wait3A] : memref<80x128xi32, #tpu.memory_space<vmem>> -> memref<1x128xi32, #tpu.memory_space<vmem>>
        %dma_wait3A_80 = tpu.memref_squeeze %dma_wait3A_79 : memref<1x128xi32, #tpu.memory_space<vmem>> -> memref<128xi32, #tpu.memory_space<vmem>>
        %dma_wait3A_81 = arith.constant 0 : i32
        %dma_wait3A_82 = tpu.memref_slice %arg7[%dma_wait3A_81] : memref<10240xf32, #tpu.memory_space<vmem_shared>> -> memref<10240xf32, #tpu.memory_space<vmem_shared>>
        tpu.wait_indirect_dma semaphore(%run_scoped3A : memref<!tpu.dma_semaphore, #tpu.memory_space<semaphore_mem>>) src(%arg6 : memref<128xf32, #tpu.memory_space<vmem>>) dst(%dma_wait3A_82 : memref<10240xf32, #tpu.memory_space<vmem_shared>>)
        tpu.yield
      }) : () -> ()
    }
    %scan3A_68 = arith.constant 80 : i32
    %barrier3A_69 = arith.constant 0 : index
    tpu.barrier barrier_id(%barrier3A_69)
    %mul3A_70 = arith.constant 640 : i32
    %mul3A_71 = arith.muli %arg1, %mul3A_70 : i32
    %mul3A_72 = arith.constant 640 : i32
    %mul3A_73 = arith.muli %arg1, %mul3A_72 : i32
    "tpu.region"() ({
      %run_scoped3A = tpu.sem_alloc : memref<!tpu.dma_semaphore, #tpu.memory_space<semaphore_mem>>
      %dma_start3A = tpu.memref_slice %arg4[%arg0, %mul3A_73] : memref<2x10240xf32, #tpu.memory_space<hbm>> -> memref<1x640xf32, #tpu.memory_space<hbm>>
      %dma_start3A_74 = tpu.memref_squeeze %dma_start3A : memref<1x640xf32, #tpu.memory_space<hbm>> -> memref<640xf32, #tpu.memory_space<hbm>>
      %dma_start3A_75 = tpu.memref_slice %arg7[%mul3A_71] : memref<10240xf32, #tpu.memory_space<vmem_shared>> -> memref<640xf32, #tpu.memory_space<vmem_shared>>
      tpu.enqueue_dma source(%dma_start3A_75 : memref<640xf32, #tpu.memory_space<vmem_shared>>) target(%dma_start3A_74 : memref<640xf32, #tpu.memory_space<hbm>>) target_semaphore(%run_scoped3A : memref<!tpu.dma_semaphore, #tpu.memory_space<semaphore_mem>>)
      %dma_wait3A = tpu.memref_slice %arg4[%arg0, %mul3A_73] : memref<2x10240xf32, #tpu.memory_space<hbm>> -> memref<1x640xf32, #tpu.memory_space<hbm>>
      %dma_wait3A_76 = tpu.memref_squeeze %dma_wait3A : memref<1x640xf32, #tpu.memory_space<hbm>> -> memref<640xf32, #tpu.memory_space<hbm>>
      %dma_wait3A_77 = tpu.memref_slice %arg7[%mul3A_71] : memref<10240xf32, #tpu.memory_space<vmem_shared>> -> memref<640xf32, #tpu.memory_space<vmem_shared>>
      tpu.wait_dma2 semaphore(%run_scoped3A : memref<!tpu.dma_semaphore, #tpu.memory_space<semaphore_mem>>) src(%dma_wait3A_77 : memref<640xf32, #tpu.memory_space<vmem_shared>>) dst(%dma_wait3A_76 : memref<640xf32, #tpu.memory_space<hbm>>)
      tpu.yield
    }) : () -> ()
    return
  }
}

#map = affine_map<(d0, d1) -> (0, 0)>
#map1 = affine_map<(d0, d1) -> (0, 0, 0)>
module attributes {stable_mosaic.version = 14 : i64} {
  func.func @_agg_body(%arg0: i32, %arg1: i32, %arg2: memref<20480x128xf32, #tpu.memory_space<hbm>>, %arg3: memref<32x80x128xi32, #tpu.memory_space<hbm>>, %arg4: memref<32x80x128xi32, #tpu.memory_space<hbm>>, %arg5: memref<640x128xf32, #tpu.memory_space<hbm>>, %arg6: memref<2x10240x128xf32, #tpu.memory_space<hbm>>, %arg7: memref<40x128xi32, #tpu.memory_space<vmem>>, %arg8: memref<40x128xi32, #tpu.memory_space<vmem>>, %arg9: memref<128x128xf32, #tpu.memory_space<vmem>>, %arg10: memref<128x128xf32, #tpu.memory_space<vmem>>, %arg11: memref<10240x128xf32, #tpu.memory_space<vmem_shared>>, %arg12: memref<!tpu.dma_semaphore, #tpu.memory_space<semaphore_mem>>, %arg13: memref<!tpu.dma_semaphore, #tpu.memory_space<semaphore_mem>>) attributes {dimension_semantics = [#tpu.dimension_semantics<core_parallel>, #tpu.dimension_semantics<subcore_parallel>], iteration_bounds = array<i64: 2, 16>, scalar_prefetch = 0 : i64, scratch_operands = 7 : i64, tpu.core_type = #tpu.core_type<sc_vector_subcore>, window_params = [{transform_indices = #map}, {transform_indices = #map1}, {transform_indices = #map1}, {transform_indices = #map}, {transform_indices = #map1}]} {
    %mul3A = arith.constant 16 : i32
    %mul3A_0 = arith.muli %arg0, %mul3A : i32
    %add3A = arith.addi %mul3A_0, %arg1 : i32
    %mul3A_1 = arith.constant 16 : i32
    %mul3A_2 = arith.muli %arg0, %mul3A_1 : i32
    %add3A_3 = arith.addi %mul3A_2, %arg1 : i32
    %mul3A_4 = arith.constant 640 : i32
    %mul3A_5 = arith.muli %add3A_3, %mul3A_4 : i32
    %mul3A_6 = arith.constant 640 : i32
    %mul3A_7 = arith.muli %arg1, %mul3A_6 : i32
    "tpu.region"() ({
      %run_scoped3A = tpu.sem_alloc : memref<!tpu.dma_semaphore, #tpu.memory_space<semaphore_mem>>
      %dma_start3A_50 = arith.constant 0 : i32
      %dma_start3A_51 = tpu.memref_slice %arg11[%mul3A_7, %dma_start3A_50] : memref<10240x128xf32, #tpu.memory_space<vmem_shared>> -> memref<640x128xf32, #tpu.memory_space<vmem_shared>>
      %dma_start3A_52 = arith.constant 0 : i32
      %dma_start3A_53 = tpu.memref_slice %arg2[%mul3A_5, %dma_start3A_52] : memref<20480x128xf32, #tpu.memory_space<hbm>> -> memref<640x128xf32, #tpu.memory_space<hbm>>
      tpu.enqueue_dma source(%dma_start3A_53 : memref<640x128xf32, #tpu.memory_space<hbm>>) target(%dma_start3A_51 : memref<640x128xf32, #tpu.memory_space<vmem_shared>>) target_semaphore(%run_scoped3A : memref<!tpu.dma_semaphore, #tpu.memory_space<semaphore_mem>>)
      %dma_wait3A_54 = arith.constant 0 : i32
      %dma_wait3A_55 = tpu.memref_slice %arg11[%mul3A_7, %dma_wait3A_54] : memref<10240x128xf32, #tpu.memory_space<vmem_shared>> -> memref<640x128xf32, #tpu.memory_space<vmem_shared>>
      %dma_wait3A_56 = arith.constant 0 : i32
      %dma_wait3A_57 = tpu.memref_slice %arg2[%mul3A_5, %dma_wait3A_56] : memref<20480x128xf32, #tpu.memory_space<hbm>> -> memref<640x128xf32, #tpu.memory_space<hbm>>
      tpu.wait_dma2 semaphore(%run_scoped3A : memref<!tpu.dma_semaphore, #tpu.memory_space<semaphore_mem>>) src(%dma_wait3A_57 : memref<640x128xf32, #tpu.memory_space<hbm>>) dst(%dma_wait3A_55 : memref<640x128xf32, #tpu.memory_space<vmem_shared>>)
      tpu.yield
    }) : () -> ()
    %barrier3A = arith.constant 0 : index
    tpu.barrier barrier_id(%barrier3A)
    "tpu.region"() ({
      %run_scoped3A = tpu.sem_alloc : memref<!tpu.dma_semaphore, #tpu.memory_space<semaphore_mem>>
      %dma_start3A_50 = arith.constant 0 : i32
      %dma_start3A_51 = arith.constant 0 : i32
      %dma_start3A_52 = tpu.memref_slice %arg3[%add3A, %dma_start3A_50, %dma_start3A_51] : memref<32x80x128xi32, #tpu.memory_space<hbm>> -> memref<1x40x128xi32, #tpu.memory_space<hbm>>
      %dma_start3A_53 = tpu.memref_squeeze %dma_start3A_52 : memref<1x40x128xi32, #tpu.memory_space<hbm>> -> memref<40x128xi32, #tpu.memory_space<hbm>>
      %dma_start3A_54 = arith.constant 0 : i32
      %dma_start3A_55 = arith.constant 0 : i32
      %dma_start3A_56 = tpu.memref_slice %arg3[%add3A, %dma_start3A_54, %dma_start3A_55] : memref<32x80x128xi32, #tpu.memory_space<hbm>> -> memref<1x40x128xi32, #tpu.memory_space<hbm>>
      %dma_start3A_57 = tpu.memref_squeeze %dma_start3A_56 : memref<1x40x128xi32, #tpu.memory_space<hbm>> -> memref<40x128xi32, #tpu.memory_space<hbm>>
      tpu.enqueue_dma source(%dma_start3A_57 : memref<40x128xi32, #tpu.memory_space<hbm>>) target(%arg7 : memref<40x128xi32, #tpu.memory_space<vmem>>) target_semaphore(%run_scoped3A : memref<!tpu.dma_semaphore, #tpu.memory_space<semaphore_mem>>)
      %dma_wait3A_58 = arith.constant 0 : i32
      %dma_wait3A_59 = arith.constant 0 : i32
      %dma_wait3A_60 = tpu.memref_slice %arg3[%add3A, %dma_wait3A_58, %dma_wait3A_59] : memref<32x80x128xi32, #tpu.memory_space<hbm>> -> memref<1x40x128xi32, #tpu.memory_space<hbm>>
      %dma_wait3A_61 = tpu.memref_squeeze %dma_wait3A_60 : memref<1x40x128xi32, #tpu.memory_space<hbm>> -> memref<40x128xi32, #tpu.memory_space<hbm>>
      %dma_wait3A_62 = arith.constant 0 : i32
      %dma_wait3A_63 = arith.constant 0 : i32
      %dma_wait3A_64 = tpu.memref_slice %arg3[%add3A, %dma_wait3A_62, %dma_wait3A_63] : memref<32x80x128xi32, #tpu.memory_space<hbm>> -> memref<1x40x128xi32, #tpu.memory_space<hbm>>
      %dma_wait3A_65 = tpu.memref_squeeze %dma_wait3A_64 : memref<1x40x128xi32, #tpu.memory_space<hbm>> -> memref<40x128xi32, #tpu.memory_space<hbm>>
      tpu.wait_dma2 semaphore(%run_scoped3A : memref<!tpu.dma_semaphore, #tpu.memory_space<semaphore_mem>>) src(%dma_wait3A_65 : memref<40x128xi32, #tpu.memory_space<hbm>>) dst(%arg7 : memref<40x128xi32, #tpu.memory_space<vmem>>)
      tpu.yield
    }) : () -> ()
    "tpu.region"() ({
      %run_scoped3A = tpu.sem_alloc : memref<!tpu.dma_semaphore, #tpu.memory_space<semaphore_mem>>
      %dma_start3A_50 = arith.constant 0 : i32
      %dma_start3A_51 = arith.constant 0 : i32
      %dma_start3A_52 = tpu.memref_slice %arg4[%add3A, %dma_start3A_50, %dma_start3A_51] : memref<32x80x128xi32, #tpu.memory_space<hbm>> -> memref<1x40x128xi32, #tpu.memory_space<hbm>>
      %dma_start3A_53 = tpu.memref_squeeze %dma_start3A_52 : memref<1x40x128xi32, #tpu.memory_space<hbm>> -> memref<40x128xi32, #tpu.memory_space<hbm>>
      %dma_start3A_54 = arith.constant 0 : i32
      %dma_start3A_55 = arith.constant 0 : i32
      %dma_start3A_56 = tpu.memref_slice %arg4[%add3A, %dma_start3A_54, %dma_start3A_55] : memref<32x80x128xi32, #tpu.memory_space<hbm>> -> memref<1x40x128xi32, #tpu.memory_space<hbm>>
      %dma_start3A_57 = tpu.memref_squeeze %dma_start3A_56 : memref<1x40x128xi32, #tpu.memory_space<hbm>> -> memref<40x128xi32, #tpu.memory_space<hbm>>
      tpu.enqueue_dma source(%dma_start3A_57 : memref<40x128xi32, #tpu.memory_space<hbm>>) target(%arg8 : memref<40x128xi32, #tpu.memory_space<vmem>>) target_semaphore(%run_scoped3A : memref<!tpu.dma_semaphore, #tpu.memory_space<semaphore_mem>>)
      %dma_wait3A_58 = arith.constant 0 : i32
      %dma_wait3A_59 = arith.constant 0 : i32
      %dma_wait3A_60 = tpu.memref_slice %arg4[%add3A, %dma_wait3A_58, %dma_wait3A_59] : memref<32x80x128xi32, #tpu.memory_space<hbm>> -> memref<1x40x128xi32, #tpu.memory_space<hbm>>
      %dma_wait3A_61 = tpu.memref_squeeze %dma_wait3A_60 : memref<1x40x128xi32, #tpu.memory_space<hbm>> -> memref<40x128xi32, #tpu.memory_space<hbm>>
      %dma_wait3A_62 = arith.constant 0 : i32
      %dma_wait3A_63 = arith.constant 0 : i32
      %dma_wait3A_64 = tpu.memref_slice %arg4[%add3A, %dma_wait3A_62, %dma_wait3A_63] : memref<32x80x128xi32, #tpu.memory_space<hbm>> -> memref<1x40x128xi32, #tpu.memory_space<hbm>>
      %dma_wait3A_65 = tpu.memref_squeeze %dma_wait3A_64 : memref<1x40x128xi32, #tpu.memory_space<hbm>> -> memref<40x128xi32, #tpu.memory_space<hbm>>
      tpu.wait_dma2 semaphore(%run_scoped3A : memref<!tpu.dma_semaphore, #tpu.memory_space<semaphore_mem>>) src(%dma_wait3A_65 : memref<40x128xi32, #tpu.memory_space<hbm>>) dst(%arg8 : memref<40x128xi32, #tpu.memory_space<vmem>>)
      tpu.yield
    }) : () -> ()
    %dma_start3A = arith.constant 0 : i32
    %dma_start3A_8 = arith.constant 0 : i32
    %dma_start3A_9 = tpu.memref_slice %arg7[%dma_start3A, %dma_start3A_8] : memref<40x128xi32, #tpu.memory_space<vmem>> -> memref<1x128xi32, #tpu.memory_space<vmem>>
    %dma_start3A_10 = tpu.memref_squeeze %dma_start3A_9 : memref<1x128xi32, #tpu.memory_space<vmem>> -> memref<128xi32, #tpu.memory_space<vmem>>
    %dma_start3A_11 = arith.constant 0 : i32
    %dma_start3A_12 = arith.constant 0 : i32
    %dma_start3A_13 = tpu.memref_slice %arg11[%dma_start3A_11, %dma_start3A_12] : memref<10240x128xf32, #tpu.memory_space<vmem_shared>> -> memref<10240x128xf32, #tpu.memory_space<vmem_shared>>
    tpu.enqueue_indirect_dma source(%dma_start3A_13 : memref<10240x128xf32, #tpu.memory_space<vmem_shared>>) target(%arg9 : memref<128x128xf32, #tpu.memory_space<vmem>>) offsets(%dma_start3A_10 : memref<128xi32, #tpu.memory_space<vmem>>) semaphore(%arg12 : memref<!tpu.dma_semaphore, #tpu.memory_space<semaphore_mem>>)
    %scan3A = arith.constant 0 : i32
    %scan3A_14 = arith.constant 0 : i32
    %scan3A_15 = arith.constant 20 : i32
    %scan3A_16 = arith.addi %scan3A_14, %scan3A_15 : i32
    %scan3A_17 = arith.constant 1 : i32
    scf.for %scan3A_50 = %scan3A_14 to %scan3A_16 step %scan3A_17  : i32 {
      %mul3A_51 = arith.constant 2 : i32
      %mul3A_52 = arith.muli %mul3A_51, %scan3A_50 : i32
      %mul3A_53 = arith.constant 2 : i32
      %mul3A_54 = arith.muli %mul3A_53, %scan3A_50 : i32
      %add3A_55 = arith.constant 1 : i32
      %add3A_56 = arith.addi %mul3A_54, %add3A_55 : i32
      %dma_start3A_57 = arith.constant 0 : i32
      %dma_start3A_58 = tpu.memref_slice %arg7[%add3A_56, %dma_start3A_57] : memref<40x128xi32, #tpu.memory_space<vmem>> -> memref<1x128xi32, #tpu.memory_space<vmem>>
      %dma_start3A_59 = tpu.memref_squeeze %dma_start3A_58 : memref<1x128xi32, #tpu.memory_space<vmem>> -> memref<128xi32, #tpu.memory_space<vmem>>
      %dma_start3A_60 = arith.constant 0 : i32
      %dma_start3A_61 = arith.constant 0 : i32
      %dma_start3A_62 = tpu.memref_slice %arg11[%dma_start3A_60, %dma_start3A_61] : memref<10240x128xf32, #tpu.memory_space<vmem_shared>> -> memref<10240x128xf32, #tpu.memory_space<vmem_shared>>
      tpu.enqueue_indirect_dma source(%dma_start3A_62 : memref<10240x128xf32, #tpu.memory_space<vmem_shared>>) target(%arg10 : memref<128x128xf32, #tpu.memory_space<vmem>>) offsets(%dma_start3A_59 : memref<128xi32, #tpu.memory_space<vmem>>) semaphore(%arg13 : memref<!tpu.dma_semaphore, #tpu.memory_space<semaphore_mem>>)
      %dma_wait3A_63 = arith.constant 0 : i32
      %dma_wait3A_64 = arith.constant 0 : i32
      %dma_wait3A_65 = tpu.memref_slice %arg7[%dma_wait3A_63, %dma_wait3A_64] : memref<40x128xi32, #tpu.memory_space<vmem>> -> memref<1x128xi32, #tpu.memory_space<vmem>>
      %dma_wait3A_66 = tpu.memref_squeeze %dma_wait3A_65 : memref<1x128xi32, #tpu.memory_space<vmem>> -> memref<128xi32, #tpu.memory_space<vmem>>
      %dma_wait3A_67 = arith.constant 0 : i32
      %dma_wait3A_68 = arith.constant 0 : i32
      %dma_wait3A_69 = tpu.memref_slice %arg11[%dma_wait3A_67, %dma_wait3A_68] : memref<10240x128xf32, #tpu.memory_space<vmem_shared>> -> memref<10240x128xf32, #tpu.memory_space<vmem_shared>>
      tpu.wait_indirect_dma semaphore(%arg12 : memref<!tpu.dma_semaphore, #tpu.memory_space<semaphore_mem>>) src(%dma_wait3A_69 : memref<10240x128xf32, #tpu.memory_space<vmem_shared>>) dst(%arg9 : memref<128x128xf32, #tpu.memory_space<vmem>>)
      %add3A_70 = arith.constant 1 : i32
      %add3A_71 = arith.addi %add3A_56, %add3A_70 : i32
      %lt3A = arith.constant 40 : i32
      %lt3A_72 = arith.cmpi slt, %add3A_71, %lt3A : i32
      %add3A_73 = arith.constant 1 : i32
      %add3A_74 = arith.addi %add3A_56, %add3A_73 : i32
      %jit3A = arith.constant 0 : i32
      %select_n3A = arith.select %lt3A_72, %add3A_74, %jit3A : i32
      %dma_start3A_75 = arith.constant 0 : i32
      %dma_start3A_76 = tpu.memref_slice %arg7[%select_n3A, %dma_start3A_75] : memref<40x128xi32, #tpu.memory_space<vmem>> -> memref<1x128xi32, #tpu.memory_space<vmem>>
      %dma_start3A_77 = tpu.memref_squeeze %dma_start3A_76 : memref<1x128xi32, #tpu.memory_space<vmem>> -> memref<128xi32, #tpu.memory_space<vmem>>
      %dma_start3A_78 = arith.constant 0 : i32
      %dma_start3A_79 = arith.constant 0 : i32
      %dma_start3A_80 = tpu.memref_slice %arg11[%dma_start3A_78, %dma_start3A_79] : memref<10240x128xf32, #tpu.memory_space<vmem_shared>> -> memref<10240x128xf32, #tpu.memory_space<vmem_shared>>
      tpu.enqueue_indirect_dma source(%dma_start3A_80 : memref<10240x128xf32, #tpu.memory_space<vmem_shared>>) target(%arg9 : memref<128x128xf32, #tpu.memory_space<vmem>>) offsets(%dma_start3A_77 : memref<128xi32, #tpu.memory_space<vmem>>) semaphore(%arg12 : memref<!tpu.dma_semaphore, #tpu.memory_space<semaphore_mem>>)
      %dma_wait3A_81 = arith.constant 0 : i32
      %dma_wait3A_82 = arith.constant 0 : i32
      %dma_wait3A_83 = tpu.memref_slice %arg7[%dma_wait3A_81, %dma_wait3A_82] : memref<40x128xi32, #tpu.memory_space<vmem>> -> memref<1x128xi32, #tpu.memory_space<vmem>>
      %dma_wait3A_84 = tpu.memref_squeeze %dma_wait3A_83 : memref<1x128xi32, #tpu.memory_space<vmem>> -> memref<128xi32, #tpu.memory_space<vmem>>
      %dma_wait3A_85 = arith.constant 0 : i32
      %dma_wait3A_86 = arith.constant 0 : i32
      %dma_wait3A_87 = tpu.memref_slice %arg11[%dma_wait3A_85, %dma_wait3A_86] : memref<10240x128xf32, #tpu.memory_space<vmem_shared>> -> memref<10240x128xf32, #tpu.memory_space<vmem_shared>>
      tpu.wait_indirect_dma semaphore(%arg13 : memref<!tpu.dma_semaphore, #tpu.memory_space<semaphore_mem>>) src(%dma_wait3A_87 : memref<10240x128xf32, #tpu.memory_space<vmem_shared>>) dst(%arg10 : memref<128x128xf32, #tpu.memory_space<vmem>>)
    }
    %scan3A_18 = arith.constant 20 : i32
    %dma_wait3A = arith.constant 0 : i32
    %dma_wait3A_19 = arith.constant 0 : i32
    %dma_wait3A_20 = tpu.memref_slice %arg7[%dma_wait3A, %dma_wait3A_19] : memref<40x128xi32, #tpu.memory_space<vmem>> -> memref<1x128xi32, #tpu.memory_space<vmem>>
    %dma_wait3A_21 = tpu.memref_squeeze %dma_wait3A_20 : memref<1x128xi32, #tpu.memory_space<vmem>> -> memref<128xi32, #tpu.memory_space<vmem>>
    %dma_wait3A_22 = arith.constant 0 : i32
    %dma_wait3A_23 = arith.constant 0 : i32
    %dma_wait3A_24 = tpu.memref_slice %arg11[%dma_wait3A_22, %dma_wait3A_23] : memref<10240x128xf32, #tpu.memory_space<vmem_shared>> -> memref<10240x128xf32, #tpu.memory_space<vmem_shared>>
    tpu.wait_indirect_dma semaphore(%arg12 : memref<!tpu.dma_semaphore, #tpu.memory_space<semaphore_mem>>) src(%dma_wait3A_24 : memref<10240x128xf32, #tpu.memory_space<vmem_shared>>) dst(%arg9 : memref<128x128xf32, #tpu.memory_space<vmem>>)
    "tpu.region"() ({
      %run_scoped3A = tpu.sem_alloc : memref<!tpu.dma_semaphore, #tpu.memory_space<semaphore_mem>>
      %dma_start3A_50 = arith.constant 40 : i32
      %dma_start3A_51 = arith.constant 0 : i32
      %dma_start3A_52 = tpu.memref_slice %arg3[%add3A, %dma_start3A_50, %dma_start3A_51] : memref<32x80x128xi32, #tpu.memory_space<hbm>> -> memref<1x40x128xi32, #tpu.memory_space<hbm>>
      %dma_start3A_53 = tpu.memref_squeeze %dma_start3A_52 : memref<1x40x128xi32, #tpu.memory_space<hbm>> -> memref<40x128xi32, #tpu.memory_space<hbm>>
      %dma_start3A_54 = arith.constant 40 : i32
      %dma_start3A_55 = arith.constant 0 : i32
      %dma_start3A_56 = tpu.memref_slice %arg3[%add3A, %dma_start3A_54, %dma_start3A_55] : memref<32x80x128xi32, #tpu.memory_space<hbm>> -> memref<1x40x128xi32, #tpu.memory_space<hbm>>
      %dma_start3A_57 = tpu.memref_squeeze %dma_start3A_56 : memref<1x40x128xi32, #tpu.memory_space<hbm>> -> memref<40x128xi32, #tpu.memory_space<hbm>>
      tpu.enqueue_dma source(%dma_start3A_57 : memref<40x128xi32, #tpu.memory_space<hbm>>) target(%arg7 : memref<40x128xi32, #tpu.memory_space<vmem>>) target_semaphore(%run_scoped3A : memref<!tpu.dma_semaphore, #tpu.memory_space<semaphore_mem>>)
      %dma_wait3A_58 = arith.constant 40 : i32
      %dma_wait3A_59 = arith.constant 0 : i32
      %dma_wait3A_60 = tpu.memref_slice %arg3[%add3A, %dma_wait3A_58, %dma_wait3A_59] : memref<32x80x128xi32, #tpu.memory_space<hbm>> -> memref<1x40x128xi32, #tpu.memory_space<hbm>>
      %dma_wait3A_61 = tpu.memref_squeeze %dma_wait3A_60 : memref<1x40x128xi32, #tpu.memory_space<hbm>> -> memref<40x128xi32, #tpu.memory_space<hbm>>
      %dma_wait3A_62 = arith.constant 40 : i32
      %dma_wait3A_63 = arith.constant 0 : i32
      %dma_wait3A_64 = tpu.memref_slice %arg3[%add3A, %dma_wait3A_62, %dma_wait3A_63] : memref<32x80x128xi32, #tpu.memory_space<hbm>> -> memref<1x40x128xi32, #tpu.memory_space<hbm>>
      %dma_wait3A_65 = tpu.memref_squeeze %dma_wait3A_64 : memref<1x40x128xi32, #tpu.memory_space<hbm>> -> memref<40x128xi32, #tpu.memory_space<hbm>>
      tpu.wait_dma2 semaphore(%run_scoped3A : memref<!tpu.dma_semaphore, #tpu.memory_space<semaphore_mem>>) src(%dma_wait3A_65 : memref<40x128xi32, #tpu.memory_space<hbm>>) dst(%arg7 : memref<40x128xi32, #tpu.memory_space<vmem>>)
      tpu.yield
    }) : () -> ()
    "tpu.region"() ({
      %run_scoped3A = tpu.sem_alloc : memref<!tpu.dma_semaphore, #tpu.memory_space<semaphore_mem>>
      %dma_start3A_50 = arith.constant 40 : i32
      %dma_start3A_51 = arith.constant 0 : i32
      %dma_start3A_52 = tpu.memref_slice %arg4[%add3A, %dma_start3A_50, %dma_start3A_51] : memref<32x80x128xi32, #tpu.memory_space<hbm>> -> memref<1x40x128xi32, #tpu.memory_space<hbm>>
      %dma_start3A_53 = tpu.memref_squeeze %dma_start3A_52 : memref<1x40x128xi32, #tpu.memory_space<hbm>> -> memref<40x128xi32, #tpu.memory_space<hbm>>
      %dma_start3A_54 = arith.constant 40 : i32
      %dma_start3A_55 = arith.constant 0 : i32
      %dma_start3A_56 = tpu.memref_slice %arg4[%add3A, %dma_start3A_54, %dma_start3A_55] : memref<32x80x128xi32, #tpu.memory_space<hbm>> -> memref<1x40x128xi32, #tpu.memory_space<hbm>>
      %dma_start3A_57 = tpu.memref_squeeze %dma_start3A_56 : memref<1x40x128xi32, #tpu.memory_space<hbm>> -> memref<40x128xi32, #tpu.memory_space<hbm>>
      tpu.enqueue_dma source(%dma_start3A_57 : memref<40x128xi32, #tpu.memory_space<hbm>>) target(%arg8 : memref<40x128xi32, #tpu.memory_space<vmem>>) target_semaphore(%run_scoped3A : memref<!tpu.dma_semaphore, #tpu.memory_space<semaphore_mem>>)
      %dma_wait3A_58 = arith.constant 40 : i32
      %dma_wait3A_59 = arith.constant 0 : i32
      %dma_wait3A_60 = tpu.memref_slice %arg4[%add3A, %dma_wait3A_58, %dma_wait3A_59] : memref<32x80x128xi32, #tpu.memory_space<hbm>> -> memref<1x40x128xi32, #tpu.memory_space<hbm>>
      %dma_wait3A_61 = tpu.memref_squeeze %dma_wait3A_60 : memref<1x40x128xi32, #tpu.memory_space<hbm>> -> memref<40x128xi32, #tpu.memory_space<hbm>>
      %dma_wait3A_62 = arith.constant 40 : i32
      %dma_wait3A_63 = arith.constant 0 : i32
      %dma_wait3A_64 = tpu.memref_slice %arg4[%add3A, %dma_wait3A_62, %dma_wait3A_63] : memref<32x80x128xi32, #tpu.memory_space<hbm>> -> memref<1x40x128xi32, #tpu.memory_space<hbm>>
      %dma_wait3A_65 = tpu.memref_squeeze %dma_wait3A_64 : memref<1x40x128xi32, #tpu.memory_space<hbm>> -> memref<40x128xi32, #tpu.memory_space<hbm>>
      tpu.wait_dma2 semaphore(%run_scoped3A : memref<!tpu.dma_semaphore, #tpu.memory_space<semaphore_mem>>) src(%dma_wait3A_65 : memref<40x128xi32, #tpu.memory_space<hbm>>) dst(%arg8 : memref<40x128xi32, #tpu.memory_space<vmem>>)
      tpu.yield
    }) : () -> ()
    %dma_start3A_25 = arith.constant 0 : i32
    %dma_start3A_26 = arith.constant 0 : i32
    %dma_start3A_27 = tpu.memref_slice %arg7[%dma_start3A_25, %dma_start3A_26] : memref<40x128xi32, #tpu.memory_space<vmem>> -> memref<1x128xi32, #tpu.memory_space<vmem>>
    %dma_start3A_28 = tpu.memref_squeeze %dma_start3A_27 : memref<1x128xi32, #tpu.memory_space<vmem>> -> memref<128xi32, #tpu.memory_space<vmem>>
    %dma_start3A_29 = arith.constant 0 : i32
    %dma_start3A_30 = arith.constant 0 : i32
    %dma_start3A_31 = tpu.memref_slice %arg11[%dma_start3A_29, %dma_start3A_30] : memref<10240x128xf32, #tpu.memory_space<vmem_shared>> -> memref<10240x128xf32, #tpu.memory_space<vmem_shared>>
    tpu.enqueue_indirect_dma source(%dma_start3A_31 : memref<10240x128xf32, #tpu.memory_space<vmem_shared>>) target(%arg9 : memref<128x128xf32, #tpu.memory_space<vmem>>) offsets(%dma_start3A_28 : memref<128xi32, #tpu.memory_space<vmem>>) semaphore(%arg12 : memref<!tpu.dma_semaphore, #tpu.memory_space<semaphore_mem>>)
    %scan3A_32 = arith.constant 0 : i32
    %scan3A_33 = arith.constant 0 : i32
    %scan3A_34 = arith.constant 20 : i32
    %scan3A_35 = arith.addi %scan3A_33, %scan3A_34 : i32
    %scan3A_36 = arith.constant 1 : i32
    scf.for %scan3A_50 = %scan3A_33 to %scan3A_35 step %scan3A_36  : i32 {
      %mul3A_51 = arith.constant 2 : i32
      %mul3A_52 = arith.muli %mul3A_51, %scan3A_50 : i32
      %mul3A_53 = arith.constant 2 : i32
      %mul3A_54 = arith.muli %mul3A_53, %scan3A_50 : i32
      %add3A_55 = arith.constant 1 : i32
      %add3A_56 = arith.addi %mul3A_54, %add3A_55 : i32
      %dma_start3A_57 = arith.constant 0 : i32
      %dma_start3A_58 = tpu.memref_slice %arg7[%add3A_56, %dma_start3A_57] : memref<40x128xi32, #tpu.memory_space<vmem>> -> memref<1x128xi32, #tpu.memory_space<vmem>>
      %dma_start3A_59 = tpu.memref_squeeze %dma_start3A_58 : memref<1x128xi32, #tpu.memory_space<vmem>> -> memref<128xi32, #tpu.memory_space<vmem>>
      %dma_start3A_60 = arith.constant 0 : i32
      %dma_start3A_61 = arith.constant 0 : i32
      %dma_start3A_62 = tpu.memref_slice %arg11[%dma_start3A_60, %dma_start3A_61] : memref<10240x128xf32, #tpu.memory_space<vmem_shared>> -> memref<10240x128xf32, #tpu.memory_space<vmem_shared>>
      tpu.enqueue_indirect_dma source(%dma_start3A_62 : memref<10240x128xf32, #tpu.memory_space<vmem_shared>>) target(%arg10 : memref<128x128xf32, #tpu.memory_space<vmem>>) offsets(%dma_start3A_59 : memref<128xi32, #tpu.memory_space<vmem>>) semaphore(%arg13 : memref<!tpu.dma_semaphore, #tpu.memory_space<semaphore_mem>>)
      %dma_wait3A_63 = arith.constant 0 : i32
      %dma_wait3A_64 = arith.constant 0 : i32
      %dma_wait3A_65 = tpu.memref_slice %arg7[%dma_wait3A_63, %dma_wait3A_64] : memref<40x128xi32, #tpu.memory_space<vmem>> -> memref<1x128xi32, #tpu.memory_space<vmem>>
      %dma_wait3A_66 = tpu.memref_squeeze %dma_wait3A_65 : memref<1x128xi32, #tpu.memory_space<vmem>> -> memref<128xi32, #tpu.memory_space<vmem>>
      %dma_wait3A_67 = arith.constant 0 : i32
      %dma_wait3A_68 = arith.constant 0 : i32
      %dma_wait3A_69 = tpu.memref_slice %arg11[%dma_wait3A_67, %dma_wait3A_68] : memref<10240x128xf32, #tpu.memory_space<vmem_shared>> -> memref<10240x128xf32, #tpu.memory_space<vmem_shared>>
      tpu.wait_indirect_dma semaphore(%arg12 : memref<!tpu.dma_semaphore, #tpu.memory_space<semaphore_mem>>) src(%dma_wait3A_69 : memref<10240x128xf32, #tpu.memory_space<vmem_shared>>) dst(%arg9 : memref<128x128xf32, #tpu.memory_space<vmem>>)
      %add3A_70 = arith.constant 1 : i32
      %add3A_71 = arith.addi %add3A_56, %add3A_70 : i32
      %lt3A = arith.constant 40 : i32
      %lt3A_72 = arith.cmpi slt, %add3A_71, %lt3A : i32
      %add3A_73 = arith.constant 1 : i32
      %add3A_74 = arith.addi %add3A_56, %add3A_73 : i32
      %jit3A = arith.constant 0 : i32
      %select_n3A = arith.select %lt3A_72, %add3A_74, %jit3A : i32
      %dma_start3A_75 = arith.constant 0 : i32
      %dma_start3A_76 = tpu.memref_slice %arg7[%select_n3A, %dma_start3A_75] : memref<40x128xi32, #tpu.memory_space<vmem>> -> memref<1x128xi32, #tpu.memory_space<vmem>>
      %dma_start3A_77 = tpu.memref_squeeze %dma_start3A_76 : memref<1x128xi32, #tpu.memory_space<vmem>> -> memref<128xi32, #tpu.memory_space<vmem>>
      %dma_start3A_78 = arith.constant 0 : i32
      %dma_start3A_79 = arith.constant 0 : i32
      %dma_start3A_80 = tpu.memref_slice %arg11[%dma_start3A_78, %dma_start3A_79] : memref<10240x128xf32, #tpu.memory_space<vmem_shared>> -> memref<10240x128xf32, #tpu.memory_space<vmem_shared>>
      tpu.enqueue_indirect_dma source(%dma_start3A_80 : memref<10240x128xf32, #tpu.memory_space<vmem_shared>>) target(%arg9 : memref<128x128xf32, #tpu.memory_space<vmem>>) offsets(%dma_start3A_77 : memref<128xi32, #tpu.memory_space<vmem>>) semaphore(%arg12 : memref<!tpu.dma_semaphore, #tpu.memory_space<semaphore_mem>>)
      %dma_wait3A_81 = arith.constant 0 : i32
      %dma_wait3A_82 = arith.constant 0 : i32
      %dma_wait3A_83 = tpu.memref_slice %arg7[%dma_wait3A_81, %dma_wait3A_82] : memref<40x128xi32, #tpu.memory_space<vmem>> -> memref<1x128xi32, #tpu.memory_space<vmem>>
      %dma_wait3A_84 = tpu.memref_squeeze %dma_wait3A_83 : memref<1x128xi32, #tpu.memory_space<vmem>> -> memref<128xi32, #tpu.memory_space<vmem>>
      %dma_wait3A_85 = arith.constant 0 : i32
      %dma_wait3A_86 = arith.constant 0 : i32
      %dma_wait3A_87 = tpu.memref_slice %arg11[%dma_wait3A_85, %dma_wait3A_86] : memref<10240x128xf32, #tpu.memory_space<vmem_shared>> -> memref<10240x128xf32, #tpu.memory_space<vmem_shared>>
      tpu.wait_indirect_dma semaphore(%arg13 : memref<!tpu.dma_semaphore, #tpu.memory_space<semaphore_mem>>) src(%dma_wait3A_87 : memref<10240x128xf32, #tpu.memory_space<vmem_shared>>) dst(%arg10 : memref<128x128xf32, #tpu.memory_space<vmem>>)
    }
    %scan3A_37 = arith.constant 20 : i32
    %dma_wait3A_38 = arith.constant 0 : i32
    %dma_wait3A_39 = arith.constant 0 : i32
    %dma_wait3A_40 = tpu.memref_slice %arg7[%dma_wait3A_38, %dma_wait3A_39] : memref<40x128xi32, #tpu.memory_space<vmem>> -> memref<1x128xi32, #tpu.memory_space<vmem>>
    %dma_wait3A_41 = tpu.memref_squeeze %dma_wait3A_40 : memref<1x128xi32, #tpu.memory_space<vmem>> -> memref<128xi32, #tpu.memory_space<vmem>>
    %dma_wait3A_42 = arith.constant 0 : i32
    %dma_wait3A_43 = arith.constant 0 : i32
    %dma_wait3A_44 = tpu.memref_slice %arg11[%dma_wait3A_42, %dma_wait3A_43] : memref<10240x128xf32, #tpu.memory_space<vmem_shared>> -> memref<10240x128xf32, #tpu.memory_space<vmem_shared>>
    tpu.wait_indirect_dma semaphore(%arg12 : memref<!tpu.dma_semaphore, #tpu.memory_space<semaphore_mem>>) src(%dma_wait3A_44 : memref<10240x128xf32, #tpu.memory_space<vmem_shared>>) dst(%arg9 : memref<128x128xf32, #tpu.memory_space<vmem>>)
    %barrier3A_45 = arith.constant 0 : index
    tpu.barrier barrier_id(%barrier3A_45)
    %mul3A_46 = arith.constant 640 : i32
    %mul3A_47 = arith.muli %arg1, %mul3A_46 : i32
    %mul3A_48 = arith.constant 640 : i32
    %mul3A_49 = arith.muli %arg1, %mul3A_48 : i32
    "tpu.region"() ({
      %run_scoped3A = tpu.sem_alloc : memref<!tpu.dma_semaphore, #tpu.memory_space<semaphore_mem>>
      %dma_start3A_50 = arith.constant 0 : i32
      %dma_start3A_51 = tpu.memref_slice %arg6[%arg0, %mul3A_49, %dma_start3A_50] : memref<2x10240x128xf32, #tpu.memory_space<hbm>> -> memref<1x640x128xf32, #tpu.memory_space<hbm>>
      %dma_start3A_52 = tpu.memref_squeeze %dma_start3A_51 : memref<1x640x128xf32, #tpu.memory_space<hbm>> -> memref<640x128xf32, #tpu.memory_space<hbm>>
      %dma_start3A_53 = arith.constant 0 : i32
      %dma_start3A_54 = tpu.memref_slice %arg11[%mul3A_47, %dma_start3A_53] : memref<10240x128xf32, #tpu.memory_space<vmem_shared>> -> memref<640x128xf32, #tpu.memory_space<vmem_shared>>
      tpu.enqueue_dma source(%dma_start3A_54 : memref<640x128xf32, #tpu.memory_space<vmem_shared>>) target(%dma_start3A_52 : memref<640x128xf32, #tpu.memory_space<hbm>>) target_semaphore(%run_scoped3A : memref<!tpu.dma_semaphore, #tpu.memory_space<semaphore_mem>>)
      %dma_wait3A_55 = arith.constant 0 : i32
      %dma_wait3A_56 = tpu.memref_slice %arg6[%arg0, %mul3A_49, %dma_wait3A_55] : memref<2x10240x128xf32, #tpu.memory_space<hbm>> -> memref<1x640x128xf32, #tpu.memory_space<hbm>>
      %dma_wait3A_57 = tpu.memref_squeeze %dma_wait3A_56 : memref<1x640x128xf32, #tpu.memory_space<hbm>> -> memref<640x128xf32, #tpu.memory_space<hbm>>
      %dma_wait3A_58 = arith.constant 0 : i32
      %dma_wait3A_59 = tpu.memref_slice %arg11[%mul3A_47, %dma_wait3A_58] : memref<10240x128xf32, #tpu.memory_space<vmem_shared>> -> memref<640x128xf32, #tpu.memory_space<vmem_shared>>
      tpu.wait_dma2 semaphore(%run_scoped3A : memref<!tpu.dma_semaphore, #tpu.memory_space<semaphore_mem>>) src(%dma_wait3A_59 : memref<640x128xf32, #tpu.memory_space<vmem_shared>>) dst(%dma_wait3A_57 : memref<640x128xf32, #tpu.memory_space<hbm>>)
      tpu.yield
    }) : () -> ()
    return
  }
}

module attributes {stable_mosaic.version = 14 : i64} {
  func.func @_tc1_body(%arg0: i32, %arg1: memref<2560x1xf32, #tpu.memory_space<vmem>>, %arg2: memref<2560x256xf32, #tpu.memory_space<vmem>>, %arg3: memref<256x256xf32, #tpu.memory_space<vmem>>, %arg4: memref<2x2560x128xf32, #tpu.memory_space<vmem>>) attributes {dimension_semantics = [#tpu.dimension_semantics<arbitrary>], iteration_bounds = array<i64: 4>, scalar_prefetch = 0 : i64, scratch_operands = 0 : i64, tpu.core_type = #tpu.core_type<tc>, window_params = [{transform_indices = @transform_0, window_bounds = array<i64: 2560, 1>}, {transform_indices = @transform_1, window_bounds = array<i64: 2560, 256>}, {pipeline_mode = #tpu.pipeline_mode<synchronous>, transform_indices = @transform_2, window_bounds = array<i64: 256, 256>}, {transform_indices = @transform_3, window_bounds = array<i64: 2, 2560, 128>}]} {
    %get3A = arith.constant 0 : index
    %get3A_0 = arith.constant 0 : index
    %get3A_1 = vector.load %arg1[%get3A, %get3A_0] : memref<2560x1xf32, #tpu.memory_space<vmem>>, vector<2560x1xf32>
    %add3A = arith.constant 1.000000e+00 : f32
    %add3A_2 = vector.broadcast %add3A : f32 to vector<2560x1xf32>
    %add3A_3 = arith.addf %get3A_1, %add3A_2 : vector<2560x1xf32>
    %rsqrt3A = math.rsqrt %add3A_3 : vector<2560x1xf32>
    %get3A_4 = arith.constant 0 : index
    %get3A_5 = arith.constant 0 : index
    %get3A_6 = vector.load %arg2[%get3A_4, %get3A_5] : memref<2560x256xf32, #tpu.memory_space<vmem>>, vector<2560x256xf32>
    %get3A_7 = arith.constant 0 : index
    %get3A_8 = arith.constant 0 : index
    %get3A_9 = vector.load %arg3[%get3A_7, %get3A_8] : memref<256x256xf32, #tpu.memory_space<vmem>>, vector<256x256xf32>
    %dot_general3A = arith.constant dense<0.000000e+00> : vector<2560x256xf32>
    %dot_general3A_10 = tpu.matmul %get3A_6, %get3A_9, %dot_general3A {dimension_numbers = #tpu.dot_dimension_numbers<[1], [0], [0], [1], [0, 0, 1, 1], [], []>, transpose_lhs_hint = false} : vector<2560x256xf32>, vector<256x256xf32>, vector<2560x256xf32> -> vector<2560x256xf32>
    %mul3A = vector.broadcast %rsqrt3A : vector<2560x1xf32> to vector<2560x256xf32>
    %mul3A_11 = arith.mulf %dot_general3A_10, %mul3A : vector<2560x256xf32>
    %slice3A = vector.extract_strided_slice %mul3A_11 {offsets = [0, 0], sizes = [2560, 128], strides = [1, 1]} : vector<2560x256xf32> to vector<2560x128xf32>
    %swap3A = arith.constant 0 : index
    %swap3A_12 = arith.constant 0 : index
    %swap3A_13 = arith.constant 0 : index
    %swap3A_14 = vector.load %arg4[%swap3A, %swap3A_12, %swap3A_13] : memref<2x2560x128xf32, #tpu.memory_space<vmem>>, vector<1x2560x128xf32>
    %swap3A_15 = vector.shape_cast %swap3A_14 : vector<1x2560x128xf32> to vector<2560x128xf32>
    %swap3A_16 = vector.shape_cast %slice3A : vector<2560x128xf32> to vector<1x2560x128xf32>
    tpu.vector_store %arg4[%swap3A, %swap3A_12, %swap3A_13], %swap3A_16 {strides = array<i32>} : memref<2x2560x128xf32, #tpu.memory_space<vmem>>, vector<1x2560x128xf32>,
    %slice3A_17 = vector.extract_strided_slice %mul3A_11 {offsets = [0, 128], sizes = [2560, 128], strides = [1, 1]} : vector<2560x256xf32> to vector<2560x128xf32>
    %swap3A_18 = arith.constant 1 : index
    %swap3A_19 = arith.constant 0 : index
    %swap3A_20 = arith.constant 0 : index
    %swap3A_21 = vector.load %arg4[%swap3A_18, %swap3A_19, %swap3A_20] : memref<2x2560x128xf32, #tpu.memory_space<vmem>>, vector<1x2560x128xf32>
    %swap3A_22 = vector.shape_cast %swap3A_21 : vector<1x2560x128xf32> to vector<2560x128xf32>
    %swap3A_23 = vector.shape_cast %slice3A_17 : vector<2560x128xf32> to vector<1x2560x128xf32>
    tpu.vector_store %arg4[%swap3A_18, %swap3A_19, %swap3A_20], %swap3A_23 {strides = array<i32>} : memref<2x2560x128xf32, #tpu.memory_space<vmem>>, vector<1x2560x128xf32>,
    return
  }
  func.func @transform_0(%arg0: i32) -> (i32, i32) {
    %c0_i32 = arith.constant 0 : i32
    %c0_i32_0 = arith.constant 0 : i32
    return %arg0, %c0_i32 : i32, i32
  }
  func.func @transform_1(%arg0: i32) -> (i32, i32) {
    %c0_i32 = arith.constant 0 : i32
    %c0_i32_0 = arith.constant 0 : i32
    return %arg0, %c0_i32 : i32, i32
  }
  func.func @transform_2(%arg0: i32) -> (i32, i32) {
    %c0_i32 = arith.constant 0 : i32
    %c0_i32_0 = arith.constant 0 : i32
    %c0_i32_1 = arith.constant 0 : i32
    return %c0_i32, %c0_i32_0 : i32, i32
  }
  func.func @transform_3(%arg0: i32) -> (i32, i32, i32) {
    %c0_i32 = arith.constant 0 : i32
    %c0_i32_0 = arith.constant 0 : i32
    %c0_i32_1 = arith.constant 0 : i32
    return %c0_i32, %arg0, %c0_i32_0 : i32, i32, i32
  }
}

module attributes {stable_mosaic.version = 14 : i64} {
  func.func @_tc3_body(%arg0: i32, %arg1: memref<2560x1xf32, #tpu.memory_space<vmem>>, %arg2: memref<2x2560x128xf32, #tpu.memory_space<vmem>>, %arg3: memref<2560x128xf32, #tpu.memory_space<vmem>>, %arg4: memref<2560x64xf32, #tpu.memory_space<vmem>>) attributes {dimension_semantics = [#tpu.dimension_semantics<arbitrary>], iteration_bounds = array<i64: 4>, scalar_prefetch = 0 : i64, scratch_operands = 0 : i64, tpu.core_type = #tpu.core_type<tc>, window_params = [{transform_indices = @transform_0, window_bounds = array<i64: 2560, 1>}, {transform_indices = @transform_1, window_bounds = array<i64: 2, 2560, 128>}, {transform_indices = @transform_2, window_bounds = array<i64: 2560, 128>}, {transform_indices = @transform_3, window_bounds = array<i64: 2560, 64>}]} {
    %get3A = arith.constant 0 : index
    %get3A_0 = arith.constant 0 : index
    %get3A_1 = vector.load %arg1[%get3A, %get3A_0] : memref<2560x1xf32, #tpu.memory_space<vmem>>, vector<2560x1xf32>
    %add3A = arith.constant 1.000000e+00 : f32
    %add3A_2 = vector.broadcast %add3A : f32 to vector<2560x1xf32>
    %add3A_3 = arith.addf %get3A_1, %add3A_2 : vector<2560x1xf32>
    %rsqrt3A = math.rsqrt %add3A_3 : vector<2560x1xf32>
    %get3A_4 = arith.constant 0 : index
    %get3A_5 = arith.constant 0 : index
    %get3A_6 = arith.constant 0 : index
    %get3A_7 = vector.load %arg2[%get3A_4, %get3A_5, %get3A_6] : memref<2x2560x128xf32, #tpu.memory_space<vmem>>, vector<1x2560x128xf32>
    %get3A_8 = vector.shape_cast %get3A_7 : vector<1x2560x128xf32> to vector<2560x128xf32>
    %get3A_9 = arith.constant 1 : index
    %get3A_10 = arith.constant 0 : index
    %get3A_11 = arith.constant 0 : index
    %get3A_12 = vector.load %arg2[%get3A_9, %get3A_10, %get3A_11] : memref<2x2560x128xf32, #tpu.memory_space<vmem>>, vector<1x2560x128xf32>
    %get3A_13 = vector.shape_cast %get3A_12 : vector<1x2560x128xf32> to vector<2560x128xf32>
    %add3A_14 = arith.addf %get3A_8, %get3A_13 : vector<2560x128xf32>
    %get3A_15 = arith.constant 0 : index
    %get3A_16 = arith.constant 0 : index
    %get3A_17 = vector.load %arg3[%get3A_15, %get3A_16] : memref<2560x128xf32, #tpu.memory_space<vmem>>, vector<2560x128xf32>
    %add3A_18 = arith.addf %add3A_14, %get3A_17 : vector<2560x128xf32>
    %mul3A = vector.broadcast %rsqrt3A : vector<2560x1xf32> to vector<2560x128xf32>
    %mul3A_19 = arith.mulf %add3A_18, %mul3A : vector<2560x128xf32>
    %slice3A = vector.extract_strided_slice %mul3A_19 {offsets = [0, 0], sizes = [2560, 64], strides = [1, 1]} : vector<2560x128xf32> to vector<2560x64xf32>
    %reduce_max3A = arith.constant dense<0xFF800000> : vector<2560xf32>
    %reduce_max3A_20 = vector.multi_reduction <maximumf>, %slice3A, %reduce_max3A [1] : vector<2560x64xf32> to vector<2560xf32>
    %broadcast_in_dim3A = vector.shape_cast %reduce_max3A_20 : vector<2560xf32> to vector<2560x1xf32>
    %sub3A = vector.broadcast %broadcast_in_dim3A : vector<2560x1xf32> to vector<2560x64xf32>
    %sub3A_21 = arith.subf %slice3A, %sub3A : vector<2560x64xf32>
    %exp3A = math.exp %sub3A_21 : vector<2560x64xf32>
    %reduce_sum3A = arith.constant dense<0.000000e+00> : vector<2560xf32>
    %reduce_sum3A_22 = vector.multi_reduction <add>, %exp3A, %reduce_sum3A [1] : vector<2560x64xf32> to vector<2560xf32>
    %broadcast_in_dim3A_23 = vector.shape_cast %reduce_sum3A_22 : vector<2560xf32> to vector<2560x1xf32>
    %div3A = vector.broadcast %broadcast_in_dim3A_23 : vector<2560x1xf32> to vector<2560x64xf32>
    %div3A_24 = arith.divf %exp3A, %div3A : vector<2560x64xf32>
    %swap3A = arith.constant 0 : index
    %swap3A_25 = arith.constant 0 : index
    %swap3A_26 = vector.load %arg4[%swap3A, %swap3A_25] : memref<2560x64xf32, #tpu.memory_space<vmem>>, vector<2560x64xf32>
    tpu.vector_store %arg4[%swap3A, %swap3A_25], %div3A_24 {strides = array<i32>} : memref<2560x64xf32, #tpu.memory_space<vmem>>, vector<2560x64xf32>,
    return
  }
  func.func @transform_0(%arg0: i32) -> (i32, i32) {
    %c0_i32 = arith.constant 0 : i32
    %c0_i32_0 = arith.constant 0 : i32
    return %arg0, %c0_i32 : i32, i32
  }
  func.func @transform_1(%arg0: i32) -> (i32, i32, i32) {
    %c0_i32 = arith.constant 0 : i32
    %c0_i32_0 = arith.constant 0 : i32
    %c0_i32_1 = arith.constant 0 : i32
    return %c0_i32, %arg0, %c0_i32_0 : i32, i32, i32
  }
  func.func @transform_2(%arg0: i32) -> (i32, i32) {
    %c0_i32 = arith.constant 0 : i32
    %c0_i32_0 = arith.constant 0 : i32
    return %arg0, %c0_i32 : i32, i32
  }
  func.func @transform_3(%arg0: i32) -> (i32, i32) {
    %c0_i32 = arith.constant 0 : i32
    %c0_i32_0 = arith.constant 0 : i32
    return %arg0, %c0_i32 : i32, i32
  }
}

module attributes {stable_mosaic.version = 14 : i64} {
  func.func @_tc2_body(%arg0: i32, %arg1: memref<2560x1xf32, #tpu.memory_space<vmem>>, %arg2: memref<2x2560x128xf32, #tpu.memory_space<vmem>>, %arg3: memref<2x2560x128xf32, #tpu.memory_space<vmem>>, %arg4: memref<256x64xf32, #tpu.memory_space<vmem>>, %arg5: memref<2560x128xf32, #tpu.memory_space<vmem>>) attributes {dimension_semantics = [#tpu.dimension_semantics<arbitrary>], iteration_bounds = array<i64: 4>, scalar_prefetch = 0 : i64, scratch_operands = 0 : i64, tpu.core_type = #tpu.core_type<tc>, window_params = [{transform_indices = @transform_0, window_bounds = array<i64: 2560, 1>}, {transform_indices = @transform_1, window_bounds = array<i64: 2, 2560, 128>}, {transform_indices = @transform_2, window_bounds = array<i64: 2, 2560, 128>}, {pipeline_mode = #tpu.pipeline_mode<synchronous>, transform_indices = @transform_3, window_bounds = array<i64: 256, 64>}, {transform_indices = @transform_4, window_bounds = array<i64: 2560, 128>}]} {
    %get3A = arith.constant 0 : index
    %get3A_0 = arith.constant 0 : index
    %get3A_1 = vector.load %arg1[%get3A, %get3A_0] : memref<2560x1xf32, #tpu.memory_space<vmem>>, vector<2560x1xf32>
    %add3A = arith.constant 1.000000e+00 : f32
    %add3A_2 = vector.broadcast %add3A : f32 to vector<2560x1xf32>
    %add3A_3 = arith.addf %get3A_1, %add3A_2 : vector<2560x1xf32>
    %rsqrt3A = math.rsqrt %add3A_3 : vector<2560x1xf32>
    %get3A_4 = arith.constant 0 : index
    %get3A_5 = arith.constant 0 : index
    %get3A_6 = arith.constant 0 : index
    %get3A_7 = vector.load %arg2[%get3A_4, %get3A_5, %get3A_6] : memref<2x2560x128xf32, #tpu.memory_space<vmem>>, vector<1x2560x128xf32>
    %get3A_8 = vector.shape_cast %get3A_7 : vector<1x2560x128xf32> to vector<2560x128xf32>
    %get3A_9 = arith.constant 0 : index
    %get3A_10 = arith.constant 0 : index
    %get3A_11 = arith.constant 0 : index
    %get3A_12 = vector.load %arg3[%get3A_9, %get3A_10, %get3A_11] : memref<2x2560x128xf32, #tpu.memory_space<vmem>>, vector<1x2560x128xf32>
    %get3A_13 = vector.shape_cast %get3A_12 : vector<1x2560x128xf32> to vector<2560x128xf32>
    %add3A_14 = arith.addf %get3A_8, %get3A_13 : vector<2560x128xf32>
    %mul3A = vector.broadcast %rsqrt3A : vector<2560x1xf32> to vector<2560x128xf32>
    %mul3A_15 = arith.mulf %add3A_14, %mul3A : vector<2560x128xf32>
    %max3A = arith.constant 0.000000e+00 : f32
    %max3A_16 = vector.broadcast %max3A : f32 to vector<2560x128xf32>
    %max3A_17 = arith.maximumf %mul3A_15, %max3A_16 : vector<2560x128xf32>
    %get3A_18 = arith.constant 1 : index
    %get3A_19 = arith.constant 0 : index
    %get3A_20 = arith.constant 0 : index
    %get3A_21 = vector.load %arg2[%get3A_18, %get3A_19, %get3A_20] : memref<2x2560x128xf32, #tpu.memory_space<vmem>>, vector<1x2560x128xf32>
    %get3A_22 = vector.shape_cast %get3A_21 : vector<1x2560x128xf32> to vector<2560x128xf32>
    %get3A_23 = arith.constant 1 : index
    %get3A_24 = arith.constant 0 : index
    %get3A_25 = arith.constant 0 : index
    %get3A_26 = vector.load %arg3[%get3A_23, %get3A_24, %get3A_25] : memref<2x2560x128xf32, #tpu.memory_space<vmem>>, vector<1x2560x128xf32>
    %get3A_27 = vector.shape_cast %get3A_26 : vector<1x2560x128xf32> to vector<2560x128xf32>
    %add3A_28 = arith.addf %get3A_22, %get3A_27 : vector<2560x128xf32>
    %mul3A_29 = vector.broadcast %rsqrt3A : vector<2560x1xf32> to vector<2560x128xf32>
    %mul3A_30 = arith.mulf %add3A_28, %mul3A_29 : vector<2560x128xf32>
    %max3A_31 = arith.constant 0.000000e+00 : f32
    %max3A_32 = vector.broadcast %max3A_31 : f32 to vector<2560x128xf32>
    %max3A_33 = arith.maximumf %mul3A_30, %max3A_32 : vector<2560x128xf32>
    %get3A_34 = arith.constant 0 : index
    %get3A_35 = arith.constant 0 : index
    %get3A_36 = vector.load %arg4[%get3A_34, %get3A_35] : memref<256x64xf32, #tpu.memory_space<vmem>>, vector<128x64xf32>
    %dot_general3A = arith.constant dense<0.000000e+00> : vector<2560x64xf32>
    %dot_general3A_37 = tpu.matmul %max3A_17, %get3A_36, %dot_general3A {dimension_numbers = #tpu.dot_dimension_numbers<[1], [0], [0], [1], [0, 0, 1, 1], [], []>, transpose_lhs_hint = false} : vector<2560x128xf32>, vector<128x64xf32>, vector<2560x64xf32> -> vector<2560x64xf32>
    %get3A_38 = arith.constant 128 : index
    %get3A_39 = arith.constant 0 : index
    %get3A_40 = vector.load %arg4[%get3A_38, %get3A_39] : memref<256x64xf32, #tpu.memory_space<vmem>>, vector<128x64xf32>
    %dot_general3A_41 = arith.constant dense<0.000000e+00> : vector<2560x64xf32>
    %dot_general3A_42 = tpu.matmul %max3A_33, %get3A_40, %dot_general3A_41 {dimension_numbers = #tpu.dot_dimension_numbers<[1], [0], [0], [1], [0, 0, 1, 1], [], []>, transpose_lhs_hint = false} : vector<2560x128xf32>, vector<128x64xf32>, vector<2560x64xf32> -> vector<2560x64xf32>
    %add3A_43 = arith.addf %dot_general3A_37, %dot_general3A_42 : vector<2560x64xf32>
    %mul3A_44 = vector.broadcast %rsqrt3A : vector<2560x1xf32> to vector<2560x64xf32>
    %mul3A_45 = arith.mulf %add3A_43, %mul3A_44 : vector<2560x64xf32>
    %jit3A = arith.constant 0 : i32
    %convert_element_type3A = arith.sitofp %jit3A : i32 to f32
    %pad3A = vector.broadcast %convert_element_type3A : f32 to vector<2560x64xf32>
    %pad3A_46 = tpu.concatenate %mul3A_45, %pad3A in 1 : vector<2560x64xf32>, vector<2560x64xf32> -> vector<2560x128xf32>
    %swap3A = arith.constant 0 : index
    %swap3A_47 = arith.constant 0 : index
    %swap3A_48 = vector.load %arg5[%swap3A, %swap3A_47] : memref<2560x128xf32, #tpu.memory_space<vmem>>, vector<2560x128xf32>
    tpu.vector_store %arg5[%swap3A, %swap3A_47], %pad3A_46 {strides = array<i32>} : memref<2560x128xf32, #tpu.memory_space<vmem>>, vector<2560x128xf32>,
    return
  }
  func.func @transform_0(%arg0: i32) -> (i32, i32) {
    %c0_i32 = arith.constant 0 : i32
    %c0_i32_0 = arith.constant 0 : i32
    return %arg0, %c0_i32 : i32, i32
  }
  func.func @transform_1(%arg0: i32) -> (i32, i32, i32) {
    %c0_i32 = arith.constant 0 : i32
    %c0_i32_0 = arith.constant 0 : i32
    %c0_i32_1 = arith.constant 0 : i32
    return %c0_i32, %arg0, %c0_i32_0 : i32, i32, i32
  }
  func.func @transform_2(%arg0: i32) -> (i32, i32, i32) {
    %c0_i32 = arith.constant 0 : i32
    %c0_i32_0 = arith.constant 0 : i32
    %c0_i32_1 = arith.constant 0 : i32
    return %c0_i32, %arg0, %c0_i32_0 : i32, i32, i32
  }
  func.func @transform_3(%arg0: i32) -> (i32, i32) {
    %c0_i32 = arith.constant 0 : i32
    %c0_i32_0 = arith.constant 0 : i32
    %c0_i32_1 = arith.constant 0 : i32
    return %c0_i32, %c0_i32_0 : i32, i32
  }
  func.func @transform_4(%arg0: i32) -> (i32, i32) {
    %c0_i32 = arith.constant 0 : i32
    %c0_i32_0 = arith.constant 0 : i32
    return %arg0, %c0_i32 : i32, i32
  }
}

</mosaic_0001>

<sc_bundles>
// kernel: kernel.11.cloned.1.call-start
scs
__scs_entry_jumppad:
0x0: {  	(pc) =	sbr.rel $0x88, $3  }
0x1: {  	(tag) =	ssettag $0x0;
	lr =	simm.s32 $0x1  }
0x2: {  	[smem:$0x3F9D] =	sst lr;
	_ =	strace $0xD0000000  }
0x3: {  	_ = 	snop  }
0x4: {  	_ = 	snop  }
0x5: {  	_ = 	snop  }
0x6: {  	_ = 	snop  }
0x7: {  	_ = 	snop  }
__scs_overlays_trampoline_lowered:
0x8: {  	[smem:$0x3FAC] =	sst s0  }
0x9: {  	[smem:$0x3FAD] =	sst s1  }
0xa: {  	[smem:$0x3FAE] =	sst s2  }
0xb: {  	[smem:$0x3FAF] =	sst s3  }
0xc: {  	[smem:$0x3FB0] =	sst s4  }
0xd: {  	[smem:$0x3FB1] =	sst s5  }
0xe: {  	[smem:$0x3FB2] =	sst s6  }
0xf: {  	[smem:$0x3FB3] =	sst s7  }
0x10: {  	[smem:$0x3FB4] =	sst s8  }
0x11: {  	[smem:$0x3FB5] =	sst s9;
	s0 =	simm.s32 @!p0 $0x0  }
0x12: {  	s1 =	sld [smem:$0x3F9B];
	s0 =	simm.s32 @p0 $0x1  }
0x13: {  	[smem:$0x3FB6] =	sst s0;
	s0 =	simm.s32 @!p1 $0x0  }
0x14: {  	s2 =	sld [smem:$0x3F9A];
	s0 =	simm.s32 @p1 $0x1  }
0x15: {  	[smem:$0x3FB7] =	sst s0;
	s0 =	simm.s32 @!p2 $0x0  }
0x16: {  	s3 =	sld [smem:$0x3FDB];
	s0 =	simm.s32 @p2 $0x1  }
0x17: {  	s4 =	simm.s32 $0x1BF5;
	[smem:$0x3FB9] =	sst s0  }
0x18: {  	s0 =	sld [smem:$0x3F9C];
	_ =	swait.ge [sflag:s4], $0x0  }
0x19: {  	s7 =	sld [smem:$0x3F9D]  }
0x1a: {  	s8 =	sadd.s32 $0xFFFFE003, lr  }
0x1b: {  	s9 =	sadd.s32 $0xFFFFFEF7, lr;
	s5 =	simm.s32 $0xFFFFFFFF;
	p2 =	slt.u32 s8, $0xFFFFF086  }
0x1c: {  	p1 =	slt.u32 s9, $0xF7A;
	s5 =	simm.s32 @!p2 $0x0  }
0x1d: {  	s5 =	simm.s32 @p1 $0x1;
	p0 =	seq.s32 s7, s2  }
0x1e: {  	s7 =	smul.u32 @!p0 $0xF7A, s2;
	p2 =	seq.s32 @!p0 s5, $0x0  }
0x1f: {  	s9 =	smul.u32 $0xF7A, s1;
	s8 =	simm.s32 @!p0 $0x1BF5;
	p2 =	por !p2, p0  }
0x20: {  	[sflag:s8] =	ssyncset.s32 @!p0 $0xFFFFF086;
	s6 =	sadd.s32 @!p0 s3, s7;
	s7 =	simm.s32 @!p0 $0x108  }
0x21: {  	s3 =	sadd.s32 s3, s9;
	s6 =	sadd.s32 @!p0 $0x88, s6;
	s7 =	simm.s32 @p2 $0x1082  }
0x22: {  	[simem:s7], [sflag:s8] =	dma.local @!p0 [hbm:s6], $0xF7A  }
0x23: {  	s9 =	sor.u32 $0xD0000000, s2;
	s6 =	simm.s32 $0x108;
	_ =	swait.ge @!p0 [sflag:s8], $0x0  }
0x24: {  	s3 =	sadd.s32 $0x88, s3;
	s6 =	simm.s32 @!p1 $0x1082;
	[sflag:s4] =	ssyncset.s32 $0xFFFFF086  }
0x25: {  	[simem:s6], [sflag:s4] =	dma.local [hbm:s3], $0xF7A  }
0x26: {  	[smem:$0x3F9D] =	sst s1;
	(tag) =	ssettag s2;
	_ =	strace s9  }
0x27: {  	s1 =	sld [smem:$0x3FAD]  }
0x28: {  	s2 =	sld [smem:$0x3FAE]  }
0x29: {  	s4 =	sld [smem:$0x3FB0]  }
0x2a: {  	p0 =	seq.s32 s5, $0x0;
	s5 =	sld [smem:$0x3FB1]  }
0x2b: {  	s6 =	sld [smem:$0x3FB2]  }
0x2c: {  	s7 =	sld [smem:$0x3FB3]  }
0x2d: {  	s3 =	simm.s32 $0x108;
	s8 =	sld [smem:$0x3FB4]  }
0x2e: {  	s3 =	simm.s32 @!p0 $0x1082;
	s9 =	sld [smem:$0x3FB5]  }
0x2f: {  	lr =	sadd.s32 s0, s3;
	s0 =	sld [smem:$0x3FAC]  }
0x30: {  	s3 =	sld [smem:$0x3FAF]  }
0x31: {  	[smem:$0x3FB8] =	sst s10  }
0x32: {  	s10 =	sld [smem:$0x3FB6];
	_ =	sdelay $0x3  }
0x33: {  	p0 =	seq.s32 s10, $0x1;
	s10 =	sld [smem:$0x3FB8];
	_ =	sdelay $0x3  }
0x34: {  	[smem:$0x3FB8] =	sst s10  }
0x35: {  	s10 =	sld [smem:$0x3FB7];
	_ =	sdelay $0x3  }
0x36: {  	p1 =	seq.s32 s10, $0x1;
	s10 =	sld [smem:$0x3FB8];
	_ =	sdelay $0x3  }
0x37: {  	[smem:$0x3FB8] =	sst s10  }
0x38: {  	s10 =	sld [smem:$0x3FB9]  }
0x39: {  	_ = 	snop;
	(pc) =	sbr.ind lr, $3  }
0x3a: {  	_ = 	snop  }
0x3b: {  	_ = 	snop  }
0x3c: {  	p2 =	seq.s32 s10, $0x1;
	s10 =	sld [smem:$0x3FB8]  }
0x3d: {  	_ =	shalt  }
0x3e: {  	_ =	shalt  }
0x3f: {  	_ =	shalt  }
0x40: {  	_ =	shalt  }
0x41: {  	_ =	shalt  }
0x42: {  	_ =	shalt  }
0x43: {  	_ =	shalt  }
0x44: {  	_ =	shalt  }
0x45: {  	_ =	shalt  }
0x46: {  	_ =	shalt  }
0x47: {  	_ =	shalt  }
0x48: {  	_ =	shalt  }
0x49: {  	_ =	shalt  }
0x4a: {  	_ =	shalt  }
0x4b: {  	_ =	shalt  }
0x4c: {  	_ =	shalt  }
0x4d: {  	_ =	shalt  }
0x4e: {  	_ =	shalt  }
0x4f: {  	_ =	shalt  }
0x50: {  	_ =	shalt  }
0x51: {  	_ =	shalt  }
0x52: {  	_ =	shalt  }
0x53: {  	_ =	shalt  }
0x54: {  	_ =	shalt  }
0x55: {  	_ =	shalt  }
0x56: {  	_ =	shalt  }
0x57: {  	_ =	shalt  }
0x58: {  	_ =	shalt  }
0x59: {  	_ =	shalt  }
0x5a: {  	_ =	shalt  }
0x5b: {  	_ =	shalt  }
0x5c: {  	_ =	shalt  }
0x5d: {  	_ =	shalt  }
0x5e: {  	_ =	shalt  }
0x5f: {  	_ =	shalt  }
0x60: {  	_ =	shalt  }
0x61: {  	_ =	shalt  }
0x62: {  	_ =	shalt  }
0x63: {  	_ =	shalt  }
0x64: {  	_ =	shalt  }
0x65: {  	_ =	shalt  }
0x66: {  	_ =	shalt  }
0x67: {  	_ =	shalt  }
0x68: {  	_ =	shalt  }
0x69: {  	_ =	shalt  }
0x6a: {  	_ =	shalt  }
0x6b: {  	_ =	shalt  }
0x6c: {  	_ =	shalt  }
0x6d: {  	_ =	shalt  }
0x6e: {  	_ =	shalt  }
0x6f: {  	_ =	shalt  }
0x70: {  	_ =	shalt  }
0x71: {  	_ =	shalt  }
0x72: {  	_ =	shalt  }
0x73: {  	_ =	shalt  }
0x74: {  	_ =	shalt  }
0x75: {  	_ =	shalt  }
0x76: {  	_ =	shalt  }
0x77: {  	_ =	shalt  }
0x78: {  	_ =	shalt  }
0x79: {  	_ =	shalt  }
0x7a: {  	_ =	shalt  }
0x7b: {  	_ =	shalt  }
0x7c: {  	_ =	shalt  }
0x7d: {  	_ =	shalt  }
0x7e: {  	_ =	shalt  }
0x7f: {  	_ =	shalt  }
0x80: {  	_ =	shalt  }
0x81: {  	_ =	shalt  }
0x82: {  	_ =	shalt  }
0x83: {  	_ =	shalt  }
0x84: {  	_ =	shalt  }
0x85: {  	_ =	shalt  }
0x86: {  	_ =	shalt  }
0x87: {  	_ =	shalt  }
.Lfunc_end0:
.L_simem_size_0:
called_computation.1_lowered:
.L_overlay_start_0:
0x88: {  	s2 =	sld [smem:$0x3FD9]  }
0x89: {  	s3 =	sld [smem:$0x3FFE];
	_ =	sdelay $0x1  }
0x8a: {  	s1 =	srdreg.scid  }
0x8b: {  	s0 =	sand.u32 $0x1, s1  }
0x8c: {  	s17 =	sshll.u32 s0, $0xA;
	s2 =	sadd.s32 s3, s2  }
0x8d: {  	s2 =	sadd.s32 s2, s17  }
0x8e: {  	[smem:$0x3FC4] =	sst s2  }
0x8f: {  	_ = 	snop  }
0x90: {  	s2 =	sld [smem:$0x3FD0];
	(tm) =	ssettm $0x1  }
0x91: {  	s18 =	sld [smem:$0x3FFB];
	_ =	sdelay $0x3  }
0x92: {  	_ =	strace s18  }
0x93: {  	s3 =	sld [smem:$0x3FFC];
	_ =	sdelay $0x3  }
0x94: {  	_ =	strace s3  }
0x95: {  	s3 =	sld [smem:$0x3FFD];
	_ =	sdelay $0x3  }
0x96: {  	_ =	strace s3  }
0x97: {  	_ =	strace $0x8FFFFFFF  }
0x98: {  	s19 =	sld [smem:$0x3FDB];
	_ =	sdelay $0x1  }
0x99: {  	s4 =	simm.s32 $_scs_section_size  }
0x9a: {  	s5 =	simm.s32 $_size__tile_overlayer_lowered;
	s6 =	simm.s32 $_tile_overlayer_lowered  }
0x9b: {  	s22 =	simm.s32 $0x1BFF;
	s21 =	sshll.u32 s6, $0x1;
	s3 =	sadd.s32 s4, s19  }
0x9c: {  	s7 =	simm.s32 $0x0;
	s20 =	sshll.u32 s5, $0x1;
	s5 =	sadd.s32 s21, s3  }
0x9d: {  	[timem:s7], [sflag:s22] =	dma.local [hbm:s5], s20  }
0x9e: {  	_ =	swait.ge [sflag:s22], s20  }
0x9f: {  	s4 =	ssub.s32 $0x0, s20;
	[sflag:s22] =	ssyncset.done $0x0  }
0xa0: {  	[sflag:s22] =	ssyncadd.s32 s4;
	_ =	sdelay $0x1  }
0xa1: {  	s23 =	simm.s32 $0x1B8B  }
0xa2: {  	_ =	swait.ge [sflag:s23], $0x1  }
0xa3: {  	[sflag:s23] =	ssyncset.done $0x0  }
0xa4: {  	s25 =	simm.s32 $0x1B8E;
	s24 =	sld [smem:$0x3FFE];
	[sflag:s23] =	ssyncadd.s32 $0xFFFFFFFF  }
0xa5: {  	s26 =	simm.s32 $execute0_lowered;
	[smem:$0x3FD2] =	sst s25  }
0xa6: {  	s5 =	sshll.u32 s26, $0x1;
	_ =	strace $0x80000049;
	[dreg:$0x1] =	wrdreg $0xFFFFFFFF  }
0xa7: {  	s28 =	simm.s32 $_size_execute0_lowered;
	s3 =	sadd.s32 s3, s5;
	[dreg:$0x0] =	wrdreg $0x0  }
0xa8: {  	s5 =	sshll.u32 s28, $0x1;
	[dreg:$0x2] =	wrdreg s3  }
0xa9: {  	[dreg:$0x3] =	wrdreg s5  }
0xaa: {  	[dreg:$0x4] =	wrdreg $0xC0  }
0xab: {  	_ =	task [dreg:s7], $0x5FFFF  }
0xac: {  	[dreg:$0x1] =	wrdreg $0xFFFFFFFF  }
0xad: {  	[dreg:$0x0] =	wrdreg $0x60  }
0xae: {  	[dreg:$0x2] =	wrdreg s24  }
0xaf: {  	[dreg:$0x3] =	wrdreg s2  }
0xb0: {  	[dreg:$0x4] =	wrdreg $0xA8000  }
0xb1: {  	[dreg:$0x5] =	wrdreg $0x9  }
0xb2: {  	_ =	task.clear_ibuf [dreg:s7], $0x6FFFF;
	_ =	strace $0x90000049  }
0xb3: {  	s29 =	simm.s32 $0x9;
	_ =	strace $0x8000004B  }
0xb4: {  	_ =	swait.ge [sflag:s29], $0x1  }
0xb5: {  	[sflag:s29] =	ssyncadd.s32 $0xFFFFFFFF  }
0xb6: {  	_ =	strace $0x9000004B  }
0xb7: {  	_ =	sfence  }
0xb8: {  	s30 =	sld [smem:$0x0];
	_ =	sdelay $0x2  }
0xb9: {  	s31 =	sshll.u32 s1, $0xD;
	s1 =	sshrl.u32 s1, $0x2  }
0xba: {  	s3 =	sand.u32 $0x4000, s31;
	s1 =	sadd.s32 s1, s30  }
0xbb: {  	s0 =	sor.u32 s3, s0;
	s1 =	sshll.u32 s1, $0x11  }
0xbc: {  	s0 =	sor.u32 s1, s0  }
0xbd: {  	s0 =	sadd.s32 $0x8F2B, s0  }
0xbe: {  	[sflag:s0] =	ssyncadd.remote.s32 $0x1  }
0xbf: {  	_ =	sfence.sel $0xFFFF  }
0xc0: {  	[dreg:$0x0] =	wrdreg $0xFFFFFFFF;
	(pc) =	sbr.abs _section_cstart, $3  }
0xc1: {  	[dreg:$0x1] =	wrdreg $0xFFFFFFFF  }
0xc2: {  	_ =	task.clear_ibuf [dreg:s7], $0x2FFFF;
	_ =	strace $0x9FFFFFFF  }
0xc3: {  	(tm) =	ssettm $0x7FFFFFFF  }
tec
execute0_lowered:
.L_overlay_start_1:
0x0: {  	(tag) =	ssettag $0x1  }
0x1: {  	s5 =	rddreg [dreg:$0x0]  }
0x2: {  	s8 =	rddreg [dreg:$0x1]  }
0x3: {  	s0 =	srdreg.scid;
	s2 =	rddreg [dreg:$0x2];
	s3 =	simm.s32 $0x0  }
0x4: {  	s16 =	simm.s32 $0x2800;
	s17 =	simm.s32 $0x6800;
	s18 =	simm.s32 $0x1  }
0x5: {  	s19 =	simm.s32 $0x2;
	s20 =	simm.s32 $0x1380;
	s4 =	sand.u32 $0x1, s0  }
0x6: {  	s21 =	simm.s32 $0x0;
	s0 =	stileid.u32;
	s7 =	smul.u32 $0x140000, s4  }
0x7: {  	[smem:$0x7FF] =	sst s3;
	s12 =	sadd.s32 $0x56E00, s5;
	s9 =	smul.u32 $0x14000, s0  }
0x8: {  	s1 =	sshll.u32 s4, $0x4;
	s11 =	smul.u32 $0x50000, s0;
	s4 =	ssub.s32 $0x2, s4  }
0x9: {  	s29 =	sshll.u32 s0, $0x6;
	s1 =	sor.u32 s0, s1;
	s28 =	sshrl.u32 s4, $0x1  }
0xa: {  	s6 =	smul.u32 $0x2800, s1;
	s1 =	rddreg [dreg:$0x3];
	_ =	strace $0x8000004A  }
0xb: {  	s7 =	sadd.s32 s9, s7;
	s11 =	sshrl.u32 s11, $0x2;
	s14 =	ssub.s32 s4, s28  }
0xc: {  	s7 =	sshrl.u32 s7, $0x3;
	s15 =	sadd.s32 s11, s2;
	s11 =	smax.u32 s14, $0x1  }
0xd: {  	s14 =	simm.s32 $0x1400;
	s10 =	sadd.s32 s6, s5;
	s13 =	sadd.s32 s7, s5  }
0xe: {  	s30 =	sshrl.u32 s6, $0x3;
	s5 =	sor.u32 $0x1C03, s29;
	s4 =	sadd.s32 $0x1200, s10  }
0xf: {  	s6 =	sadd.s32 s8, s30;
	s31 =	sadd.s32 $0x280, s30;
	s7 =	sadd.s32 s12, s30  }
0x10: {  	s10 =	sadd.s32 $0x60E00, s13;
	s13 =	simm.s32 $0x3;
	s8 =	sadd.s32 s8, s31  }
0x11: {  	s9 =	sadd.s32 s12, s31;
	s12 =	sshrl.u32 s15, $0x3;
	s15 =	simm.s32 $0x80  }
.LBB2_1:
0x12: {  	[spmem:s12], [sflag:s5] =	dma.local [hbm:s4], $0x2800  }
0x13: {  	_ =	swait.ge [sflag:s13], $0x2800  }
0x14: {  	[sflag:s13] =	ssyncset.done $0x0  }
0x15: {  	[sflag:s13] =	ssyncadd.s32 $0xFFFFD800  }
0x16: {  	[bflag:$0x0] =	sbarrier.arrive $0xFFFF  }
0x17: {  	[tilespmem:s3], [sflag:$0x3] =	stream.linear.gather [hbm4b:s6+s3], $0x1400, $0x38;
	[tilespmem:$0x1E800] =	vst v63  }
0x18: {  	_ =	swait.ge [sflag:s13], $0x1400  }
0x19: {  	[sflag:s13] =	ssyncset.done $0x0  }
0x1a: {  	[sflag:s13] =	ssyncadd.s32 $0xFFFFEC00  }
0x1b: {  	[tilespmem:s14], [sflag:$0x3] =	stream.linear.gather [hbm4b:s7+s3], $0x1400, $0x38;
	[tilespmem:$0x1E800] =	vst v63  }
0x1c: {  	_ =	swait.ge [sflag:s13], $0x1400  }
0x1d: {  	[sflag:s13] =	ssyncset.done $0x0  }
0x1e: {  	[sflag:s13] =	ssyncadd.s32 $0xFFFFEC00  }
0x1f: {  	[tilespmem:s16], [sflag:$0x1] =	stream.indirect.gather [spmem:s2], $0x80, s3, s15, $0xb8;
	[tilespmem:$0x1E800] =	vst v63  }
0x20: {  	s22 =	simm.s32 $0x80  }
0x21: {  	[tilespmem:s17], [sflag:$0x2] =	stream.indirect.gather [spmem:s2], $0x80, s22, s15, $0xb8;
	[tilespmem:$0x1E800] =	vst v63  }
0x22: {  	_ =	swait.ge [sflag:s18], $0x4000  }
0x23: {  	[sflag:s18] =	ssyncset.done $0x0  }
0x24: {  	s31 =	simm.s32 $0x100;
	[sflag:s18] =	ssyncadd.s32 $0xFFFFC000  }
0x25: {  	[tilespmem:s16], [sflag:$0x1] =	stream.indirect.gather [spmem:s2], $0x80, s31, s15, $0xb8;
	[tilespmem:$0x1E800] =	vst v63  }
0x26: {  	_ =	swait.ge [sflag:s19], $0x4000  }
0x27: {  	s23 =	simm.s32 $0xFFFFBC00;
	s22 =	simm.s32 $0xFFFFEE00;
	[sflag:s19] =	ssyncset.done $0x0  }
.LBB2_2:
0x28: {  	s24 =	sadd.s32 $0x1380, s22  }
0x29: {  	[sflag:s19] =	ssyncadd.s32 $0xFFFFC000;
	s25 =	smov.u32 s23;
	s26 =	sadd.s32 $0x400, s23  }
0x2a: {  	[tilespmem:s17], [sflag:$0x2] =	stream.indirect.gather [spmem:s2], $0x80, s24, s15, $0xb8;
	[tilespmem:$0x1E800] =	vst v63  }
0x2b: {  	p0 =	sne.s32 s23, $0xFFFFFC00;
	_ =	swait.ge [sflag:s18], $0x4000  }
.Ltmp0:
0x2c: {  	[sflag:s18] =	ssyncset.done $0x0;
	(pc) =	sbr.rel @p0 .LBB2_2-.Ltmp0, $4  }
0x2d: {  	s22 =	sadd.s32 $0x1400, s22;
	[sflag:s18] =	ssyncadd.s32 $0xFFFFC000  }
0x2e: {  	[tilespmem:s16], [sflag:$0x1] =	stream.indirect.gather [spmem:s2], $0x80, s22, s15, $0xb8;
	[tilespmem:$0x1E800] =	vst v63  }
0x2f: {  	_ =	swait.ge [sflag:s19], $0x4000  }
0x30: {  	s23 =	smov.u32 s26;
	s22 =	sshra.s32 s25, $0x2;
	[sflag:s19] =	ssyncset.done $0x0  }
0x31: {  	s23 =	sadd.s32 $0x1380, s22;
	[sflag:s19] =	ssyncadd.s32 $0xFFFFC000  }
0x32: {  	[tilespmem:s17], [sflag:$0x2] =	stream.indirect.gather [spmem:s2], $0x80, s23, s15, $0xb8;
	[tilespmem:$0x1E800] =	vst v63  }
0x33: {  	_ =	swait.ge [sflag:s18], $0x4000  }
0x34: {  	[sflag:s18] =	ssyncset.done $0x0  }
0x35: {  	s29 =	sadd.s32 $0x1400, s22;
	[sflag:s18] =	ssyncadd.s32 $0xFFFFC000  }
0x36: {  	[tilespmem:s16], [sflag:$0x1] =	stream.indirect.gather [spmem:s2], $0x80, s29, s15, $0xb8;
	[tilespmem:$0x1E800] =	vst v63  }
0x37: {  	_ =	swait.ge [sflag:s19], $0x4000  }
0x38: {  	[sflag:s19] =	ssyncset.done $0x0  }
0x39: {  	[sflag:s19] =	ssyncadd.s32 $0xFFFFC000  }
0x3a: {  	[tilespmem:s17], [sflag:$0x2] =	stream.indirect.gather [spmem:s2], $0x80, s20, s15, $0xb8;
	[tilespmem:$0x1E800] =	vst v63  }
0x3b: {  	_ =	swait.ge [sflag:s18], $0x4000  }
0x3c: {  	[sflag:s18] =	ssyncset.done $0x0  }
0x3d: {  	[sflag:s18] =	ssyncadd.s32 $0xFFFFC000  }
0x3e: {  	[tilespmem:s16], [sflag:$0x1] =	stream.indirect.gather [spmem:s2], $0x80, s3, s15, $0xb8;
	[tilespmem:$0x1E800] =	vst v63  }
0x3f: {  	_ =	swait.ge [sflag:s19], $0x4000  }
0x40: {  	[sflag:s19] =	ssyncset.done $0x0  }
0x41: {  	[sflag:s19] =	ssyncadd.s32 $0xFFFFC000  }
0x42: {  	_ =	swait.ge [sflag:s18], $0x4000  }
0x43: {  	[sflag:s18] =	ssyncset.done $0x0  }
0x44: {  	[sflag:s18] =	ssyncadd.s32 $0xFFFFC000  }
0x45: {  	[tilespmem:s3], [sflag:$0x3] =	stream.linear.gather [hbm4b:s8+s3], $0x1400, $0x38;
	[tilespmem:$0x1E800] =	vst v63  }
0x46: {  	_ =	swait.ge [sflag:s13], $0x1400  }
0x47: {  	[sflag:s13] =	ssyncset.done $0x0  }
0x48: {  	[sflag:s13] =	ssyncadd.s32 $0xFFFFEC00  }
0x49: {  	[tilespmem:s14], [sflag:$0x3] =	stream.linear.gather [hbm4b:s9+s3], $0x1400, $0x38;
	[tilespmem:$0x1E800] =	vst v63  }
0x4a: {  	_ =	swait.ge [sflag:s13], $0x1400  }
0x4b: {  	[sflag:s13] =	ssyncset.done $0x0  }
0x4c: {  	[sflag:s13] =	ssyncadd.s32 $0xFFFFEC00  }
0x4d: {  	[tilespmem:s16], [sflag:$0x1] =	stream.indirect.gather [spmem:s2], $0x80, s3, s15, $0xb8;
	[tilespmem:$0x1E800] =	vst v63  }
0x4e: {  	s30 =	simm.s32 $0x80  }
0x4f: {  	[tilespmem:s17], [sflag:$0x2] =	stream.indirect.gather [spmem:s2], $0x80, s30, s15, $0xb8;
	[tilespmem:$0x1E800] =	vst v63  }
0x50: {  	_ =	swait.ge [sflag:s18], $0x4000  }
0x51: {  	[sflag:s18] =	ssyncset.done $0x0  }
0x52: {  	s31 =	simm.s32 $0x100;
	[sflag:s18] =	ssyncadd.s32 $0xFFFFC000  }
0x53: {  	[tilespmem:s16], [sflag:$0x1] =	stream.indirect.gather [spmem:s2], $0x80, s31, s15, $0xb8;
	[tilespmem:$0x1E800] =	vst v63  }
0x54: {  	_ =	swait.ge [sflag:s19], $0x4000  }
0x55: {  	s22 =	simm.s32 $0xFFFFEE00;
	s23 =	simm.s32 $0xFFFFBC00;
	[sflag:s19] =	ssyncset.done $0x0  }
.LBB2_4:
0x56: {  	s24 =	sadd.s32 $0x1380, s22  }
0x57: {  	[sflag:s19] =	ssyncadd.s32 $0xFFFFC000;
	s25 =	smov.u32 s23;
	s26 =	sadd.s32 $0x400, s23  }
0x58: {  	[tilespmem:s17], [sflag:$0x2] =	stream.indirect.gather [spmem:s2], $0x80, s24, s15, $0xb8;
	[tilespmem:$0x1E800] =	vst v63  }
0x59: {  	p0 =	sne.s32 s23, $0xFFFFFC00;
	_ =	swait.ge [sflag:s18], $0x4000  }
.Ltmp1:
0x5a: {  	[sflag:s18] =	ssyncset.done $0x0;
	(pc) =	sbr.rel @p0 .LBB2_4-.Ltmp1, $4  }
0x5b: {  	s22 =	sadd.s32 $0x1400, s22;
	[sflag:s18] =	ssyncadd.s32 $0xFFFFC000  }
0x5c: {  	[tilespmem:s16], [sflag:$0x1] =	stream.indirect.gather [spmem:s2], $0x80, s22, s15, $0xb8;
	[tilespmem:$0x1E800] =	vst v63  }
0x5d: {  	_ =	swait.ge [sflag:s19], $0x4000  }
0x5e: {  	s23 =	smov.u32 s26;
	s22 =	sshra.s32 s25, $0x2;
	[sflag:s19] =	ssyncset.done $0x0  }
0x5f: {  	s23 =	sadd.s32 $0x1380, s22;
	[sflag:s19] =	ssyncadd.s32 $0xFFFFC000  }
0x60: {  	[tilespmem:s17], [sflag:$0x2] =	stream.indirect.gather [spmem:s2], $0x80, s23, s15, $0xb8;
	[tilespmem:$0x1E800] =	vst v63  }
0x61: {  	_ =	swait.ge [sflag:s18], $0x4000  }
0x62: {  	[sflag:s18] =	ssyncset.done $0x0  }
0x63: {  	s31 =	sadd.s32 $0x1400, s22;
	[sflag:s18] =	ssyncadd.s32 $0xFFFFC000  }
0x64: {  	[tilespmem:s16], [sflag:$0x1] =	stream.indirect.gather [spmem:s2], $0x80, s31, s15, $0xb8;
	[tilespmem:$0x1E800] =	vst v63  }
0x65: {  	_ =	swait.ge [sflag:s19], $0x4000  }
0x66: {  	[sflag:s19] =	ssyncset.done $0x0  }
0x67: {  	[sflag:s19] =	ssyncadd.s32 $0xFFFFC000  }
0x68: {  	[tilespmem:s17], [sflag:$0x2] =	stream.indirect.gather [spmem:s2], $0x80, s20, s15, $0xb8;
	[tilespmem:$0x1E800] =	vst v63  }
0x69: {  	_ =	swait.ge [sflag:s18], $0x4000  }
0x6a: {  	[sflag:s18] =	ssyncset.done $0x0  }
0x6b: {  	[sflag:s18] =	ssyncadd.s32 $0xFFFFC000  }
0x6c: {  	[tilespmem:s16], [sflag:$0x1] =	stream.indirect.gather [spmem:s2], $0x80, s3, s15, $0xb8;
	[tilespmem:$0x1E800] =	vst v63  }
0x6d: {  	_ =	swait.ge [sflag:s19], $0x4000  }
0x6e: {  	[sflag:s19] =	ssyncset.done $0x0  }
0x6f: {  	[sflag:s19] =	ssyncadd.s32 $0xFFFFC000  }
0x70: {  	_ =	swait.ge [sflag:s18], $0x4000  }
0x71: {  	s21 =	sadd.s32 $0x1, s21;
	[sflag:s18] =	ssyncset.done $0x0  }
0x72: {  	p0 =	sne.s32 s21, s11;
	[sflag:s18] =	ssyncadd.s32 $0xFFFFC000  }
.Ltmp2:
0x73: {  	[bflag:$0x0] =	sbarrier.arrive $0xFFFF;
	(pc) =	sbr.rel @p0 .LBB2_1-.Ltmp2, $4  }
0x74: {  	[hbm:s10], [sflag:s5] =	dma.local [spmem:s12], $0x2800  }
0x75: {  	_ =	swait.ge [sflag:s13], $0x2800  }
0x76: {  	[sflag:s13] =	ssyncset.done $0x0  }
0x77: {  	[sflag:s13] =	ssyncadd.s32 $0xFFFFD800  }
0x78: {  	_ =	sfence.sel $0x180000  }
0x79: {  	[bflag:$0x0] =	sbarrier.arrive $0xFFFF  }
0x7a: {  	p0 =	sne.s32 s0, $0x0;
	_ =	strace $0x9000004A  }
0x7b: {  	s0 =	sadd.s32 @!p0 $0x100000, s1;
	[bflag:$0x2] =	sbarrier.arrive $0xFFFF  }
0x7c: {  	[sflag:s0] =	ssyncadd.tile.s32 @!p0 $0x1;
	_ =	shalt  }
.Lfunc_end2:
_tile_overlayer_lowered:
.L_overlay_start_2:
0x7d: {  	(tag) =	ssettag $0x2  }
0x7e: {  	s0 =	rddreg [dreg:$0x0];
	s2 =	stileid.u32  }
0x7f: {  	s1 =	rddreg [dreg:$0x1];
	p0 =	sne.s32 s2, $0x0  }
0x80: {  	s3 =	rddreg [dreg:$0x2];
	[bflag:$0x3] =	sbarrier.arrive $0xFFFF;
	s2 =	simm.s32 @!p0 $0x1C03  }
0x81: {  	[timem:s3], [sflag:s2] =	dma.local @!p0 [hbm:s0], s1  }
0x82: {  	s0 =	simm.s32 @!p0 $0x3  }
0x83: {  	_ =	swait.ge @!p0 [sflag:s0], s1  }
0x84: {  	s1 =	ssub.s32 @!p0 $0x0, s1;
	[sflag:s0] =	ssyncset.done @!p0 $0x0  }
0x85: {  	[sflag:s0] =	ssyncadd.s32 @!p0 s1  }
0x86: {  	[bflag:$0x3] =	sbarrier.arrive $0xFFFF  }
0x87: {  	_ =	shalt  }

// kernel: kernel.14.cloned.1.call-start
scs
__scs_entry_jumppad:
0x0: {  	(pc) =	sbr.rel $0x88, $3  }
0x1: {  	(tag) =	ssettag $0x0;
	lr =	simm.s32 $0x1  }
0x2: {  	[smem:$0x3F9D] =	sst lr;
	_ =	strace $0xD0000000  }
0x3: {  	_ = 	snop  }
0x4: {  	_ = 	snop  }
0x5: {  	_ = 	snop  }
0x6: {  	_ = 	snop  }
0x7: {  	_ = 	snop  }
__scs_overlays_trampoline_lowered:
0x8: {  	[smem:$0x3FAC] =	sst s0  }
0x9: {  	[smem:$0x3FAD] =	sst s1  }
0xa: {  	[smem:$0x3FAE] =	sst s2  }
0xb: {  	[smem:$0x3FAF] =	sst s3  }
0xc: {  	[smem:$0x3FB0] =	sst s4  }
0xd: {  	[smem:$0x3FB1] =	sst s5  }
0xe: {  	[smem:$0x3FB2] =	sst s6  }
0xf: {  	[smem:$0x3FB3] =	sst s7  }
0x10: {  	[smem:$0x3FB4] =	sst s8  }
0x11: {  	[smem:$0x3FB5] =	sst s9;
	s0 =	simm.s32 @!p0 $0x0  }
0x12: {  	s1 =	sld [smem:$0x3F9B];
	s0 =	simm.s32 @p0 $0x1  }
0x13: {  	[smem:$0x3FB6] =	sst s0;
	s0 =	simm.s32 @!p1 $0x0  }
0x14: {  	s2 =	sld [smem:$0x3F9A];
	s0 =	simm.s32 @p1 $0x1  }
0x15: {  	[smem:$0x3FB7] =	sst s0;
	s0 =	simm.s32 @!p2 $0x0  }
0x16: {  	s3 =	sld [smem:$0x3FDB];
	s0 =	simm.s32 @p2 $0x1  }
0x17: {  	s4 =	simm.s32 $0x1BF5;
	[smem:$0x3FB9] =	sst s0  }
0x18: {  	s0 =	sld [smem:$0x3F9C];
	_ =	swait.ge [sflag:s4], $0x0  }
0x19: {  	s7 =	sld [smem:$0x3F9D]  }
0x1a: {  	s8 =	sadd.s32 $0xFFFFE003, lr  }
0x1b: {  	s9 =	sadd.s32 $0xFFFFFEF7, lr;
	s5 =	simm.s32 $0xFFFFFFFF;
	p2 =	slt.u32 s8, $0xFFFFF086  }
0x1c: {  	p1 =	slt.u32 s9, $0xF7A;
	s5 =	simm.s32 @!p2 $0x0  }
0x1d: {  	s5 =	simm.s32 @p1 $0x1;
	p0 =	seq.s32 s7, s2  }
0x1e: {  	s7 =	smul.u32 @!p0 $0xF7A, s2;
	p2 =	seq.s32 @!p0 s5, $0x0  }
0x1f: {  	s9 =	smul.u32 $0xF7A, s1;
	s8 =	simm.s32 @!p0 $0x1BF5;
	p2 =	por !p2, p0  }
0x20: {  	[sflag:s8] =	ssyncset.s32 @!p0 $0xFFFFF086;
	s6 =	sadd.s32 @!p0 s3, s7;
	s7 =	simm.s32 @!p0 $0x108  }
0x21: {  	s3 =	sadd.s32 s3, s9;
	s6 =	sadd.s32 @!p0 $0x88, s6;
	s7 =	simm.s32 @p2 $0x1082  }
0x22: {  	[simem:s7], [sflag:s8] =	dma.local @!p0 [hbm:s6], $0xF7A  }
0x23: {  	s9 =	sor.u32 $0xD0000000, s2;
	s6 =	simm.s32 $0x108;
	_ =	swait.ge @!p0 [sflag:s8], $0x0  }
0x24: {  	s3 =	sadd.s32 $0x88, s3;
	s6 =	simm.s32 @!p1 $0x1082;
	[sflag:s4] =	ssyncset.s32 $0xFFFFF086  }
0x25: {  	[simem:s6], [sflag:s4] =	dma.local [hbm:s3], $0xF7A  }
0x26: {  	[smem:$0x3F9D] =	sst s1;
	(tag) =	ssettag s2;
	_ =	strace s9  }
0x27: {  	s1 =	sld [smem:$0x3FAD]  }
0x28: {  	s2 =	sld [smem:$0x3FAE]  }
0x29: {  	s4 =	sld [smem:$0x3FB0]  }
0x2a: {  	p0 =	seq.s32 s5, $0x0;
	s5 =	sld [smem:$0x3FB1]  }
0x2b: {  	s6 =	sld [smem:$0x3FB2]  }
0x2c: {  	s7 =	sld [smem:$0x3FB3]  }
0x2d: {  	s3 =	simm.s32 $0x108;
	s8 =	sld [smem:$0x3FB4]  }
0x2e: {  	s3 =	simm.s32 @!p0 $0x1082;
	s9 =	sld [smem:$0x3FB5]  }
0x2f: {  	lr =	sadd.s32 s0, s3;
	s0 =	sld [smem:$0x3FAC]  }
0x30: {  	s3 =	sld [smem:$0x3FAF]  }
0x31: {  	[smem:$0x3FB8] =	sst s10  }
0x32: {  	s10 =	sld [smem:$0x3FB6];
	_ =	sdelay $0x3  }
0x33: {  	p0 =	seq.s32 s10, $0x1;
	s10 =	sld [smem:$0x3FB8];
	_ =	sdelay $0x3  }
0x34: {  	[smem:$0x3FB8] =	sst s10  }
0x35: {  	s10 =	sld [smem:$0x3FB7];
	_ =	sdelay $0x3  }
0x36: {  	p1 =	seq.s32 s10, $0x1;
	s10 =	sld [smem:$0x3FB8];
	_ =	sdelay $0x3  }
0x37: {  	[smem:$0x3FB8] =	sst s10  }
0x38: {  	s10 =	sld [smem:$0x3FB9]  }
0x39: {  	_ = 	snop;
	(pc) =	sbr.ind lr, $3  }
0x3a: {  	_ = 	snop  }
0x3b: {  	_ = 	snop  }
0x3c: {  	p2 =	seq.s32 s10, $0x1;
	s10 =	sld [smem:$0x3FB8]  }
0x3d: {  	_ =	shalt  }
0x3e: {  	_ =	shalt  }
0x3f: {  	_ =	shalt  }
0x40: {  	_ =	shalt  }
0x41: {  	_ =	shalt  }
0x42: {  	_ =	shalt  }
0x43: {  	_ =	shalt  }
0x44: {  	_ =	shalt  }
0x45: {  	_ =	shalt  }
0x46: {  	_ =	shalt  }
0x47: {  	_ =	shalt  }
0x48: {  	_ =	shalt  }
0x49: {  	_ =	shalt  }
0x4a: {  	_ =	shalt  }
0x4b: {  	_ =	shalt  }
0x4c: {  	_ =	shalt  }
0x4d: {  	_ =	shalt  }
0x4e: {  	_ =	shalt  }
0x4f: {  	_ =	shalt  }
0x50: {  	_ =	shalt  }
0x51: {  	_ =	shalt  }
0x52: {  	_ =	shalt  }
0x53: {  	_ =	shalt  }
0x54: {  	_ =	shalt  }
0x55: {  	_ =	shalt  }
0x56: {  	_ =	shalt  }
0x57: {  	_ =	shalt  }
0x58: {  	_ =	shalt  }
0x59: {  	_ =	shalt  }
0x5a: {  	_ =	shalt  }
0x5b: {  	_ =	shalt  }
0x5c: {  	_ =	shalt  }
0x5d: {  	_ =	shalt  }
0x5e: {  	_ =	shalt  }
0x5f: {  	_ =	shalt  }
0x60: {  	_ =	shalt  }
0x61: {  	_ =	shalt  }
0x62: {  	_ =	shalt  }
0x63: {  	_ =	shalt  }
0x64: {  	_ =	shalt  }
0x65: {  	_ =	shalt  }
0x66: {  	_ =	shalt  }
0x67: {  	_ =	shalt  }
0x68: {  	_ =	shalt  }
0x69: {  	_ =	shalt  }
0x6a: {  	_ =	shalt  }
0x6b: {  	_ =	shalt  }
0x6c: {  	_ =	shalt  }
0x6d: {  	_ =	shalt  }
0x6e: {  	_ =	shalt  }
0x6f: {  	_ =	shalt  }
0x70: {  	_ =	shalt  }
0x71: {  	_ =	shalt  }
0x72: {  	_ =	shalt  }
0x73: {  	_ =	shalt  }
0x74: {  	_ =	shalt  }
0x75: {  	_ =	shalt  }
0x76: {  	_ =	shalt  }
0x77: {  	_ =	shalt  }
0x78: {  	_ =	shalt  }
0x79: {  	_ =	shalt  }
0x7a: {  	_ =	shalt  }
0x7b: {  	_ =	shalt  }
0x7c: {  	_ =	shalt  }
0x7d: {  	_ =	shalt  }
0x7e: {  	_ =	shalt  }
0x7f: {  	_ =	shalt  }
0x80: {  	_ =	shalt  }
0x81: {  	_ =	shalt  }
0x82: {  	_ =	shalt  }
0x83: {  	_ =	shalt  }
0x84: {  	_ =	shalt  }
0x85: {  	_ =	shalt  }
0x86: {  	_ =	shalt  }
0x87: {  	_ =	shalt  }
.Lfunc_end0:
.L_simem_size_0:
called_computation.2_lowered:
.L_overlay_start_0:
0x88: {  	s2 =	sld [smem:$0x3FD9]  }
0x89: {  	s3 =	sld [smem:$0x3FFE];
	_ =	sdelay $0x1  }
0x8a: {  	s1 =	srdreg.scid  }
0x8b: {  	s0 =	sand.u32 $0x1, s1  }
0x8c: {  	s16 =	sshll.u32 s0, $0xA;
	s2 =	sadd.s32 s3, s2  }
0x8d: {  	s2 =	sadd.s32 s2, s16  }
0x8e: {  	[smem:$0x3FC4] =	sst s2  }
0x8f: {  	_ = 	snop  }
0x90: {  	(tm) =	ssettm $0x1  }
0x91: {  	s17 =	sld [smem:$0x3FFB];
	_ =	sdelay $0x3  }
0x92: {  	_ =	strace s17  }
0x93: {  	s2 =	sld [smem:$0x3FFC];
	_ =	sdelay $0x3  }
0x94: {  	_ =	strace s2  }
0x95: {  	s2 =	sld [smem:$0x3FFD];
	_ =	sdelay $0x3  }
0x96: {  	_ =	strace s2  }
0x97: {  	_ =	strace $0x8FFFFFFF  }
0x98: {  	s18 =	sld [smem:$0x3FDB];
	_ =	sdelay $0x1  }
0x99: {  	s19 =	simm.s32 $_scs_section_size  }
0x9a: {  	s4 =	simm.s32 $_size__tile_overlayer_lowered;
	s5 =	simm.s32 $_tile_overlayer_lowered  }
0x9b: {  	s22 =	simm.s32 $0x1BFF;
	s21 =	sshll.u32 s5, $0x1;
	s2 =	sadd.s32 s19, s18  }
0x9c: {  	s6 =	simm.s32 $0x0;
	s20 =	sshll.u32 s4, $0x1;
	s4 =	sadd.s32 s21, s2  }
0x9d: {  	[timem:s6], [sflag:s22] =	dma.local [hbm:s4], s20  }
0x9e: {  	_ =	swait.ge [sflag:s22], s20  }
0x9f: {  	s3 =	ssub.s32 $0x0, s20;
	[sflag:s22] =	ssyncset.done $0x0  }
0xa0: {  	[sflag:s22] =	ssyncadd.s32 s3;
	_ =	sdelay $0x1  }
0xa1: {  	s23 =	simm.s32 $0x1B8B  }
0xa2: {  	_ =	swait.ge [sflag:s23], $0x1  }
0xa3: {  	[sflag:s23] =	ssyncset.done $0x0  }
0xa4: {  	s25 =	simm.s32 $0x1B8E;
	s24 =	sld [smem:$0x3FFE];
	[sflag:s23] =	ssyncadd.s32 $0xFFFFFFFF  }
0xa5: {  	s26 =	simm.s32 $execute0_lowered;
	[smem:$0x3FD2] =	sst s25  }
0xa6: {  	s4 =	sshll.u32 s26, $0x1;
	_ =	strace $0x8000004C;
	[dreg:$0x1] =	wrdreg $0xFFFFFFFF  }
0xa7: {  	s28 =	simm.s32 $_size_execute0_lowered;
	s2 =	sadd.s32 s2, s4;
	[dreg:$0x0] =	wrdreg $0x0  }
0xa8: {  	s4 =	sshll.u32 s28, $0x1;
	[dreg:$0x2] =	wrdreg s2  }
0xa9: {  	[dreg:$0x3] =	wrdreg s4  }
0xaa: {  	[dreg:$0x4] =	wrdreg $0xC0  }
0xab: {  	_ =	task [dreg:s6], $0x5FFFF  }
0xac: {  	[dreg:$0x1] =	wrdreg $0xFFFFFFFF  }
0xad: {  	[dreg:$0x0] =	wrdreg $0x60  }
0xae: {  	[dreg:$0x2] =	wrdreg s24  }
0xaf: {  	[dreg:$0x3] =	wrdreg $0xA8000  }
0xb0: {  	[dreg:$0x4] =	wrdreg $0x9  }
0xb1: {  	_ =	task.clear_ibuf [dreg:s6], $0x5FFFF;
	_ =	strace $0x9000004C  }
0xb2: {  	s29 =	simm.s32 $0x9;
	_ =	strace $0x8000004E  }
0xb3: {  	_ =	swait.ge [sflag:s29], $0x1  }
0xb4: {  	[sflag:s29] =	ssyncadd.s32 $0xFFFFFFFF  }
0xb5: {  	_ =	strace $0x9000004E  }
0xb6: {  	_ =	sfence  }
0xb7: {  	s30 =	sld [smem:$0x0];
	_ =	sdelay $0x2  }
0xb8: {  	s31 =	sshll.u32 s1, $0xD;
	s1 =	sshrl.u32 s1, $0x2  }
0xb9: {  	s3 =	sand.u32 $0x4000, s31;
	s1 =	sadd.s32 s1, s30  }
0xba: {  	s0 =	sor.u32 s3, s0;
	s1 =	sshll.u32 s1, $0x11  }
0xbb: {  	s0 =	sor.u32 s1, s0  }
0xbc: {  	s0 =	sadd.s32 $0x8F2B, s0  }
0xbd: {  	[sflag:s0] =	ssyncadd.remote.s32 $0x1  }
0xbe: {  	_ =	sfence.sel $0xFFFF  }
0xbf: {  	[dreg:$0x0] =	wrdreg $0xFFFFFFFF;
	(pc) =	sbr.abs _section_cstart, $3  }
0xc0: {  	[dreg:$0x1] =	wrdreg $0xFFFFFFFF  }
0xc1: {  	_ =	task.clear_ibuf [dreg:s6], $0x2FFFF;
	_ =	strace $0x9FFFFFFF  }
0xc2: {  	(tm) =	ssettm $0x7FFFFFFF  }
0xc3: {  	_ =	shalt  }
tec
execute0_lowered:
.L_overlay_start_1:
0x0: {  	(tag) =	ssettag $0x1  }
0x1: {  	s5 =	rddreg [dreg:$0x0]  }
0x2: {  	s0 =	srdreg.scid;
	s2 =	rddreg [dreg:$0x1];
	s3 =	simm.s32 $0x0  }
0x3: {  	s14 =	simm.s32 $0x2800;
	s15 =	simm.s32 $0x6800;
	s16 =	simm.s32 $0x1  }
0x4: {  	s17 =	simm.s32 $0x2;
	s18 =	simm.s32 $0x1380;
	s4 =	sand.u32 $0x1, s0  }
0x5: {  	s19 =	simm.s32 $0x0;
	s0 =	stileid.u32;
	s8 =	smul.u32 $0x140000, s4  }
0x6: {  	[smem:$0x7FF] =	sst s3;
	s1 =	sshll.u32 s4, $0x4;
	s9 =	smul.u32 $0x14000, s0  }
0x7: {  	s4 =	ssub.s32 $0x2, s4;
	s26 =	smul.u32 $0x50000, s0;
	s6 =	sor.u32 s0, s1  }
0x8: {  	s31 =	sshll.u32 s0, $0x6;
	s1 =	rddreg [dreg:$0x2];
	s7 =	smul.u32 $0x2800, s6  }
0x9: {  	_ =	strace $0x8000004D;
	s29 =	sshrl.u32 s4, $0x1;
	s6 =	smul.u32 $0x280, s6  }
0xa: {  	s8 =	sadd.s32 s9, s8;
	s12 =	ssub.s32 s4, s29;
	s30 =	sshrl.u32 s26, $0x2  }
0xb: {  	s28 =	sshrl.u32 s8, $0x3;
	s13 =	sadd.s32 s30, s2;
	s9 =	smax.u32 s12, $0x1  }
0xc: {  	s12 =	simm.s32 $0x1400;
	s7 =	sadd.s32 s7, s5;
	s10 =	sadd.s32 s6, s5  }
0xd: {  	s11 =	sadd.s32 s28, s5;
	s5 =	sor.u32 $0x1C03, s31;
	s4 =	sadd.s32 $0x1200, s7  }
0xe: {  	s6 =	sadd.s32 $0xB0E00, s10;
	s7 =	sadd.s32 $0xB5E00, s10;
	s8 =	sadd.s32 $0x53A00, s11  }
0xf: {  	s10 =	sshrl.u32 s13, $0x3;
	s11 =	simm.s32 $0x3;
	s13 =	simm.s32 $0x80  }
.LBB2_1:
0x10: {  	[spmem:s10], [sflag:s5] =	dma.local [hbm:s4], $0x2800  }
0x11: {  	_ =	swait.ge [sflag:s11], $0x2800  }
0x12: {  	[sflag:s11] =	ssyncset.done $0x0  }
0x13: {  	[sflag:s11] =	ssyncadd.s32 $0xFFFFD800  }
0x14: {  	[bflag:$0x0] =	sbarrier.arrive $0xFFFF  }
0x15: {  	[tilespmem:s3], [sflag:$0x3] =	stream.linear.gather [hbm4b:s6+s3], $0x1400, $0x38;
	[tilespmem:$0x1E800] =	vst v63  }
0x16: {  	_ =	swait.ge [sflag:s11], $0x1400  }
0x17: {  	[sflag:s11] =	ssyncset.done $0x0  }
0x18: {  	[sflag:s11] =	ssyncadd.s32 $0xFFFFEC00  }
0x19: {  	[tilespmem:s12], [sflag:$0x3] =	stream.linear.gather [hbm4b:s7+s3], $0x1400, $0x38;
	[tilespmem:$0x1E800] =	vst v63  }
0x1a: {  	_ =	swait.ge [sflag:s11], $0x1400  }
0x1b: {  	[sflag:s11] =	ssyncset.done $0x0  }
0x1c: {  	[sflag:s11] =	ssyncadd.s32 $0xFFFFEC00  }
0x1d: {  	[tilespmem:s14], [sflag:$0x1] =	stream.indirect.gather [spmem:s2], $0x80, s3, s13, $0xb8;
	[tilespmem:$0x1E800] =	vst v63  }
0x1e: {  	s20 =	simm.s32 $0x80  }
0x1f: {  	[tilespmem:s15], [sflag:$0x2] =	stream.indirect.gather [spmem:s2], $0x80, s20, s13, $0xb8;
	[tilespmem:$0x1E800] =	vst v63  }
0x20: {  	_ =	swait.ge [sflag:s16], $0x4000  }
0x21: {  	[sflag:s16] =	ssyncset.done $0x0  }
0x22: {  	s31 =	simm.s32 $0x100;
	[sflag:s16] =	ssyncadd.s32 $0xFFFFC000  }
0x23: {  	[tilespmem:s14], [sflag:$0x1] =	stream.indirect.gather [spmem:s2], $0x80, s31, s13, $0xb8;
	[tilespmem:$0x1E800] =	vst v63  }
0x24: {  	_ =	swait.ge [sflag:s17], $0x4000  }
0x25: {  	s21 =	simm.s32 $0xFFFFBC00;
	s20 =	simm.s32 $0xFFFFEE00;
	[sflag:s17] =	ssyncset.done $0x0  }
.LBB2_2:
0x26: {  	s22 =	sadd.s32 $0x1380, s20  }
0x27: {  	[sflag:s17] =	ssyncadd.s32 $0xFFFFC000;
	s23 =	smov.u32 s21;
	s24 =	sadd.s32 $0x400, s21  }
0x28: {  	[tilespmem:s15], [sflag:$0x2] =	stream.indirect.gather [spmem:s2], $0x80, s22, s13, $0xb8;
	[tilespmem:$0x1E800] =	vst v63  }
0x29: {  	p0 =	sne.s32 s21, $0xFFFFFC00;
	_ =	swait.ge [sflag:s16], $0x4000  }
.Ltmp0:
0x2a: {  	[sflag:s16] =	ssyncset.done $0x0;
	(pc) =	sbr.rel @p0 .LBB2_2-.Ltmp0, $4  }
0x2b: {  	s20 =	sadd.s32 $0x1400, s20;
	[sflag:s16] =	ssyncadd.s32 $0xFFFFC000  }
0x2c: {  	[tilespmem:s14], [sflag:$0x1] =	stream.indirect.gather [spmem:s2], $0x80, s20, s13, $0xb8;
	[tilespmem:$0x1E800] =	vst v63  }
0x2d: {  	_ =	swait.ge [sflag:s17], $0x4000  }
0x2e: {  	s21 =	smov.u32 s24;
	s20 =	sshra.s32 s23, $0x2;
	[sflag:s17] =	ssyncset.done $0x0  }
0x2f: {  	s21 =	sadd.s32 $0x1380, s20;
	[sflag:s17] =	ssyncadd.s32 $0xFFFFC000  }
0x30: {  	[tilespmem:s15], [sflag:$0x2] =	stream.indirect.gather [spmem:s2], $0x80, s21, s13, $0xb8;
	[tilespmem:$0x1E800] =	vst v63  }
0x31: {  	_ =	swait.ge [sflag:s16], $0x4000  }
0x32: {  	[sflag:s16] =	ssyncset.done $0x0  }
0x33: {  	s31 =	sadd.s32 $0x1400, s20;
	[sflag:s16] =	ssyncadd.s32 $0xFFFFC000  }
0x34: {  	[tilespmem:s14], [sflag:$0x1] =	stream.indirect.gather [spmem:s2], $0x80, s31, s13, $0xb8;
	[tilespmem:$0x1E800] =	vst v63  }
0x35: {  	_ =	swait.ge [sflag:s17], $0x4000  }
0x36: {  	[sflag:s17] =	ssyncset.done $0x0  }
0x37: {  	[sflag:s17] =	ssyncadd.s32 $0xFFFFC000  }
0x38: {  	[tilespmem:s15], [sflag:$0x2] =	stream.indirect.gather [spmem:s2], $0x80, s18, s13, $0xb8;
	[tilespmem:$0x1E800] =	vst v63  }
0x39: {  	_ =	swait.ge [sflag:s16], $0x4000  }
0x3a: {  	[sflag:s16] =	ssyncset.done $0x0  }
0x3b: {  	[sflag:s16] =	ssyncadd.s32 $0xFFFFC000  }
0x3c: {  	[tilespmem:s14], [sflag:$0x1] =	stream.indirect.gather [spmem:s2], $0x80, s3, s13, $0xb8;
	[tilespmem:$0x1E800] =	vst v63  }
0x3d: {  	_ =	swait.ge [sflag:s17], $0x4000  }
0x3e: {  	[sflag:s17] =	ssyncset.done $0x0  }
0x3f: {  	[sflag:s17] =	ssyncadd.s32 $0xFFFFC000  }
0x40: {  	_ =	swait.ge [sflag:s16], $0x4000  }
0x41: {  	s19 =	sadd.s32 $0x1, s19;
	[sflag:s16] =	ssyncset.done $0x0  }
0x42: {  	p0 =	sne.s32 s19, s9;
	[sflag:s16] =	ssyncadd.s32 $0xFFFFC000  }
.Ltmp1:
0x43: {  	[bflag:$0x0] =	sbarrier.arrive $0xFFFF;
	(pc) =	sbr.rel @p0 .LBB2_1-.Ltmp1, $4  }
0x44: {  	[hbm:s8], [sflag:s5] =	dma.local [spmem:s10], $0x2800  }
0x45: {  	_ =	swait.ge [sflag:s11], $0x2800  }
0x46: {  	[sflag:s11] =	ssyncset.done $0x0  }
0x47: {  	[sflag:s11] =	ssyncadd.s32 $0xFFFFD800  }
0x48: {  	_ =	sfence.sel $0x180000  }
0x49: {  	[bflag:$0x0] =	sbarrier.arrive $0xFFFF  }
0x4a: {  	p0 =	sne.s32 s0, $0x0;
	_ =	strace $0x9000004D  }
0x4b: {  	s0 =	sadd.s32 @!p0 $0x100000, s1;
	[bflag:$0x2] =	sbarrier.arrive $0xFFFF  }
0x4c: {  	[sflag:s0] =	ssyncadd.tile.s32 @!p0 $0x1;
	_ =	shalt  }
.Lfunc_end2:
_tile_overlayer_lowered:
.L_overlay_start_2:
0x4d: {  	(tag) =	ssettag $0x2  }
0x4e: {  	s0 =	rddreg [dreg:$0x0];
	s2 =	stileid.u32  }
0x4f: {  	s1 =	rddreg [dreg:$0x1];
	p0 =	sne.s32 s2, $0x0  }
0x50: {  	s3 =	rddreg [dreg:$0x2];
	[bflag:$0x3] =	sbarrier.arrive $0xFFFF;
	s2 =	simm.s32 @!p0 $0x1C03  }
0x51: {  	[timem:s3], [sflag:s2] =	dma.local @!p0 [hbm:s0], s1  }
0x52: {  	s0 =	simm.s32 @!p0 $0x3  }
0x53: {  	_ =	swait.ge @!p0 [sflag:s0], s1  }
0x54: {  	s1 =	ssub.s32 @!p0 $0x0, s1;
	[sflag:s0] =	ssyncset.done @!p0 $0x0  }
0x55: {  	[sflag:s0] =	ssyncadd.s32 @!p0 s1  }
0x56: {  	[bflag:$0x3] =	sbarrier.arrive $0xFFFF  }
0x57: {  	_ =	shalt  }

// kernel: kernel.8.cloned.1.call-start
scs
__scs_entry_jumppad:
0x0: {  	(pc) =	sbr.rel $0x88, $3  }
0x1: {  	(tag) =	ssettag $0x0;
	lr =	simm.s32 $0x1  }
0x2: {  	[smem:$0x3F9D] =	sst lr;
	_ =	strace $0xD0000000  }
0x3: {  	_ = 	snop  }
0x4: {  	_ = 	snop  }
0x5: {  	_ = 	snop  }
0x6: {  	_ = 	snop  }
0x7: {  	_ = 	snop  }
__scs_overlays_trampoline_lowered:
0x8: {  	[smem:$0x3FAC] =	sst s0  }
0x9: {  	[smem:$0x3FAD] =	sst s1  }
0xa: {  	[smem:$0x3FAE] =	sst s2  }
0xb: {  	[smem:$0x3FAF] =	sst s3  }
0xc: {  	[smem:$0x3FB0] =	sst s4  }
0xd: {  	[smem:$0x3FB1] =	sst s5  }
0xe: {  	[smem:$0x3FB2] =	sst s6  }
0xf: {  	[smem:$0x3FB3] =	sst s7  }
0x10: {  	[smem:$0x3FB4] =	sst s8  }
0x11: {  	[smem:$0x3FB5] =	sst s9;
	s0 =	simm.s32 @!p0 $0x0  }
0x12: {  	s1 =	sld [smem:$0x3F9B];
	s0 =	simm.s32 @p0 $0x1  }
0x13: {  	[smem:$0x3FB6] =	sst s0;
	s0 =	simm.s32 @!p1 $0x0  }
0x14: {  	s2 =	sld [smem:$0x3F9A];
	s0 =	simm.s32 @p1 $0x1  }
0x15: {  	[smem:$0x3FB7] =	sst s0;
	s0 =	simm.s32 @!p2 $0x0  }
0x16: {  	s3 =	sld [smem:$0x3FDB];
	s0 =	simm.s32 @p2 $0x1  }
0x17: {  	s4 =	simm.s32 $0x1BF5;
	[smem:$0x3FB9] =	sst s0  }
0x18: {  	s0 =	sld [smem:$0x3F9C];
	_ =	swait.ge [sflag:s4], $0x0  }
0x19: {  	s7 =	sld [smem:$0x3F9D]  }
0x1a: {  	s8 =	sadd.s32 $0xFFFFE003, lr  }
0x1b: {  	s9 =	sadd.s32 $0xFFFFFEF7, lr;
	s5 =	simm.s32 $0xFFFFFFFF;
	p2 =	slt.u32 s8, $0xFFFFF086  }
0x1c: {  	p1 =	slt.u32 s9, $0xF7A;
	s5 =	simm.s32 @!p2 $0x0  }
0x1d: {  	s5 =	simm.s32 @p1 $0x1;
	p0 =	seq.s32 s7, s2  }
0x1e: {  	s7 =	smul.u32 @!p0 $0xF7A, s2;
	p2 =	seq.s32 @!p0 s5, $0x0  }
0x1f: {  	s9 =	smul.u32 $0xF7A, s1;
	s8 =	simm.s32 @!p0 $0x1BF5;
	p2 =	por !p2, p0  }
0x20: {  	[sflag:s8] =	ssyncset.s32 @!p0 $0xFFFFF086;
	s6 =	sadd.s32 @!p0 s3, s7;
	s7 =	simm.s32 @!p0 $0x108  }
0x21: {  	s3 =	sadd.s32 s3, s9;
	s6 =	sadd.s32 @!p0 $0x88, s6;
	s7 =	simm.s32 @p2 $0x1082  }
0x22: {  	[simem:s7], [sflag:s8] =	dma.local @!p0 [hbm:s6], $0xF7A  }
0x23: {  	s9 =	sor.u32 $0xD0000000, s2;
	s6 =	simm.s32 $0x108;
	_ =	swait.ge @!p0 [sflag:s8], $0x0  }
0x24: {  	s3 =	sadd.s32 $0x88, s3;
	s6 =	simm.s32 @!p1 $0x1082;
	[sflag:s4] =	ssyncset.s32 $0xFFFFF086  }
0x25: {  	[simem:s6], [sflag:s4] =	dma.local [hbm:s3], $0xF7A  }
0x26: {  	[smem:$0x3F9D] =	sst s1;
	(tag) =	ssettag s2;
	_ =	strace s9  }
0x27: {  	s1 =	sld [smem:$0x3FAD]  }
0x28: {  	s2 =	sld [smem:$0x3FAE]  }
0x29: {  	s4 =	sld [smem:$0x3FB0]  }
0x2a: {  	p0 =	seq.s32 s5, $0x0;
	s5 =	sld [smem:$0x3FB1]  }
0x2b: {  	s6 =	sld [smem:$0x3FB2]  }
0x2c: {  	s7 =	sld [smem:$0x3FB3]  }
0x2d: {  	s3 =	simm.s32 $0x108;
	s8 =	sld [smem:$0x3FB4]  }
0x2e: {  	s3 =	simm.s32 @!p0 $0x1082;
	s9 =	sld [smem:$0x3FB5]  }
0x2f: {  	lr =	sadd.s32 s0, s3;
	s0 =	sld [smem:$0x3FAC]  }
0x30: {  	s3 =	sld [smem:$0x3FAF]  }
0x31: {  	[smem:$0x3FB8] =	sst s10  }
0x32: {  	s10 =	sld [smem:$0x3FB6];
	_ =	sdelay $0x3  }
0x33: {  	p0 =	seq.s32 s10, $0x1;
	s10 =	sld [smem:$0x3FB8];
	_ =	sdelay $0x3  }
0x34: {  	[smem:$0x3FB8] =	sst s10  }
0x35: {  	s10 =	sld [smem:$0x3FB7];
	_ =	sdelay $0x3  }
0x36: {  	p1 =	seq.s32 s10, $0x1;
	s10 =	sld [smem:$0x3FB8];
	_ =	sdelay $0x3  }
0x37: {  	[smem:$0x3FB8] =	sst s10  }
0x38: {  	s10 =	sld [smem:$0x3FB9]  }
0x39: {  	_ = 	snop;
	(pc) =	sbr.ind lr, $3  }
0x3a: {  	_ = 	snop  }
0x3b: {  	_ = 	snop  }
0x3c: {  	p2 =	seq.s32 s10, $0x1;
	s10 =	sld [smem:$0x3FB8]  }
0x3d: {  	_ =	shalt  }
0x3e: {  	_ =	shalt  }
0x3f: {  	_ =	shalt  }
0x40: {  	_ =	shalt  }
0x41: {  	_ =	shalt  }
0x42: {  	_ =	shalt  }
0x43: {  	_ =	shalt  }
0x44: {  	_ =	shalt  }
0x45: {  	_ =	shalt  }
0x46: {  	_ =	shalt  }
0x47: {  	_ =	shalt  }
0x48: {  	_ =	shalt  }
0x49: {  	_ =	shalt  }
0x4a: {  	_ =	shalt  }
0x4b: {  	_ =	shalt  }
0x4c: {  	_ =	shalt  }
0x4d: {  	_ =	shalt  }
0x4e: {  	_ =	shalt  }
0x4f: {  	_ =	shalt  }
0x50: {  	_ =	shalt  }
0x51: {  	_ =	shalt  }
0x52: {  	_ =	shalt  }
0x53: {  	_ =	shalt  }
0x54: {  	_ =	shalt  }
0x55: {  	_ =	shalt  }
0x56: {  	_ =	shalt  }
0x57: {  	_ =	shalt  }
0x58: {  	_ =	shalt  }
0x59: {  	_ =	shalt  }
0x5a: {  	_ =	shalt  }
0x5b: {  	_ =	shalt  }
0x5c: {  	_ =	shalt  }
0x5d: {  	_ =	shalt  }
0x5e: {  	_ =	shalt  }
0x5f: {  	_ =	shalt  }
0x60: {  	_ =	shalt  }
0x61: {  	_ =	shalt  }
0x62: {  	_ =	shalt  }
0x63: {  	_ =	shalt  }
0x64: {  	_ =	shalt  }
0x65: {  	_ =	shalt  }
0x66: {  	_ =	shalt  }
0x67: {  	_ =	shalt  }
0x68: {  	_ =	shalt  }
0x69: {  	_ =	shalt  }
0x6a: {  	_ =	shalt  }
0x6b: {  	_ =	shalt  }
0x6c: {  	_ =	shalt  }
0x6d: {  	_ =	shalt  }
0x6e: {  	_ =	shalt  }
0x6f: {  	_ =	shalt  }
0x70: {  	_ =	shalt  }
0x71: {  	_ =	shalt  }
0x72: {  	_ =	shalt  }
0x73: {  	_ =	shalt  }
0x74: {  	_ =	shalt  }
0x75: {  	_ =	shalt  }
0x76: {  	_ =	shalt  }
0x77: {  	_ =	shalt  }
0x78: {  	_ =	shalt  }
0x79: {  	_ =	shalt  }
0x7a: {  	_ =	shalt  }
0x7b: {  	_ =	shalt  }
0x7c: {  	_ =	shalt  }
0x7d: {  	_ =	shalt  }
0x7e: {  	_ =	shalt  }
0x7f: {  	_ =	shalt  }
0x80: {  	_ =	shalt  }
0x81: {  	_ =	shalt  }
0x82: {  	_ =	shalt  }
0x83: {  	_ =	shalt  }
0x84: {  	_ =	shalt  }
0x85: {  	_ =	shalt  }
0x86: {  	_ =	shalt  }
0x87: {  	_ =	shalt  }
.Lfunc_end0:
.L_simem_size_0:
called_computation_lowered:
.L_overlay_start_0:
0x88: {  	s2 =	sld [smem:$0x3FD9]  }
0x89: {  	s3 =	sld [smem:$0x3FFE];
	_ =	sdelay $0x1  }
0x8a: {  	s1 =	srdreg.scid  }
0x8b: {  	s0 =	sand.u32 $0x1, s1  }
0x8c: {  	s16 =	sshll.u32 s0, $0xA;
	s2 =	sadd.s32 s3, s2  }
0x8d: {  	s2 =	sadd.s32 s2, s16  }
0x8e: {  	[smem:$0x3FC4] =	sst s2  }
0x8f: {  	_ = 	snop  }
0x90: {  	(tm) =	ssettm $0x1  }
0x91: {  	s17 =	sld [smem:$0x3FFB];
	_ =	sdelay $0x3  }
0x92: {  	_ =	strace s17  }
0x93: {  	s2 =	sld [smem:$0x3FFC];
	_ =	sdelay $0x3  }
0x94: {  	_ =	strace s2  }
0x95: {  	s2 =	sld [smem:$0x3FFD];
	_ =	sdelay $0x3  }
0x96: {  	_ =	strace s2  }
0x97: {  	_ =	strace $0x8FFFFFFF  }
0x98: {  	s18 =	sld [smem:$0x3FDB];
	_ =	sdelay $0x1  }
0x99: {  	s19 =	simm.s32 $_scs_section_size  }
0x9a: {  	s4 =	simm.s32 $_size__tile_overlayer_lowered;
	s5 =	simm.s32 $_tile_overlayer_lowered  }
0x9b: {  	s22 =	simm.s32 $0x1BFF;
	s21 =	sshll.u32 s5, $0x1;
	s2 =	sadd.s32 s19, s18  }
0x9c: {  	s6 =	simm.s32 $0x0;
	s20 =	sshll.u32 s4, $0x1;
	s4 =	sadd.s32 s21, s2  }
0x9d: {  	[timem:s6], [sflag:s22] =	dma.local [hbm:s4], s20  }
0x9e: {  	_ =	swait.ge [sflag:s22], s20  }
0x9f: {  	s3 =	ssub.s32 $0x0, s20;
	[sflag:s22] =	ssyncset.done $0x0  }
0xa0: {  	[sflag:s22] =	ssyncadd.s32 s3;
	_ =	sdelay $0x1  }
0xa1: {  	s23 =	simm.s32 $0x1B8B  }
0xa2: {  	_ =	swait.ge [sflag:s23], $0x1  }
0xa3: {  	[sflag:s23] =	ssyncset.done $0x0  }
0xa4: {  	s25 =	simm.s32 $0x1B8E;
	s24 =	sld [smem:$0x3FFE];
	[sflag:s23] =	ssyncadd.s32 $0xFFFFFFFF  }
0xa5: {  	s26 =	simm.s32 $execute0_lowered;
	[smem:$0x3FD2] =	sst s25  }
0xa6: {  	s4 =	sshll.u32 s26, $0x1;
	_ =	strace $0x80000046;
	[dreg:$0x1] =	wrdreg $0xFFFFFFFF  }
0xa7: {  	s28 =	simm.s32 $_size_execute0_lowered;
	s2 =	sadd.s32 s2, s4;
	[dreg:$0x0] =	wrdreg $0x0  }
0xa8: {  	s4 =	sshll.u32 s28, $0x1;
	[dreg:$0x2] =	wrdreg s2  }
0xa9: {  	[dreg:$0x3] =	wrdreg s4  }
0xaa: {  	[dreg:$0x4] =	wrdreg $0xC0  }
0xab: {  	_ =	task [dreg:s6], $0x5FFFF  }
0xac: {  	[dreg:$0x1] =	wrdreg $0xFFFFFFFF  }
0xad: {  	[dreg:$0x0] =	wrdreg $0x60  }
0xae: {  	[dreg:$0x2] =	wrdreg s24  }
0xaf: {  	[dreg:$0x3] =	wrdreg $0x28800  }
0xb0: {  	[dreg:$0x4] =	wrdreg $0x9  }
0xb1: {  	_ =	task.clear_ibuf [dreg:s6], $0x5FFFF;
	_ =	strace $0x90000046  }
0xb2: {  	s29 =	simm.s32 $0x9;
	_ =	strace $0x80000048  }
0xb3: {  	_ =	swait.ge [sflag:s29], $0x1  }
0xb4: {  	[sflag:s29] =	ssyncadd.s32 $0xFFFFFFFF  }
0xb5: {  	_ =	strace $0x90000048  }
0xb6: {  	_ =	sfence  }
0xb7: {  	s30 =	sld [smem:$0x0];
	_ =	sdelay $0x2  }
0xb8: {  	s31 =	sshll.u32 s1, $0xD;
	s1 =	sshrl.u32 s1, $0x2  }
0xb9: {  	s3 =	sand.u32 $0x4000, s31;
	s1 =	sadd.s32 s1, s30  }
0xba: {  	s0 =	sor.u32 s3, s0;
	s1 =	sshll.u32 s1, $0x11  }
0xbb: {  	s0 =	sor.u32 s1, s0  }
0xbc: {  	s0 =	sadd.s32 $0x8F2B, s0  }
0xbd: {  	[sflag:s0] =	ssyncadd.remote.s32 $0x1  }
0xbe: {  	_ =	sfence.sel $0xFFFF  }
0xbf: {  	[dreg:$0x0] =	wrdreg $0xFFFFFFFF;
	(pc) =	sbr.abs _section_cstart, $3  }
0xc0: {  	[dreg:$0x1] =	wrdreg $0xFFFFFFFF  }
0xc1: {  	_ =	task.clear_ibuf [dreg:s6], $0x2FFFF;
	_ =	strace $0x9FFFFFFF  }
0xc2: {  	(tm) =	ssettm $0x7FFFFFFF  }
0xc3: {  	_ =	shalt  }
tec
execute0_lowered:
.L_overlay_start_1:
0x0: {  	(tag) =	ssettag $0x1  }
0x1: {  	s5 =	rddreg [dreg:$0x0]  }
0x2: {  	s2 =	rddreg [dreg:$0x1]  }
0x3: {  	s0 =	rddreg [dreg:$0x2]  }
0x4: {  	s1 =	stileid.u32;
	s4 =	srdreg.scid;
	s3 =	simm.s32 $0x0  }
0x5: {  	s16 =	simm.s32 $0x2800;
	s17 =	simm.s32 $0x20;
	s18 =	simm.s32 $0x10  }
0x6: {  	s19 =	simm.s32 $0x0;
	s6 =	smul.u32 $0x500, s1;
	s7 =	sand.u32 $0x1, s4  }
0x7: {  	[smem:$0x7FF] =	sst s3;
	s9 =	smul.u32 $0xA00, s1;
	s10 =	sshll.u32 s1, $0x6  }
0x8: {  	s4 =	sshll.u32 s7, $0x7;
	_ =	strace $0x80000047;
	s31 =	ssub.s32 $0x2, s7  }
0x9: {  	s4 =	sor.u32 s4, s6;
	s6 =	sadd.s32 s6, s5;
	s7 =	sshrl.u32 s31, $0x1  }
0xa: {  	s9 =	sshrl.u32 s9, $0x2;
	s8 =	sshrl.u32 s4, $0x3;
	s4 =	sadd.s32 $0x6200, s5  }
0xb: {  	s11 =	ssub.s32 s31, s7;
	s9 =	sadd.s32 s9, s2;
	s6 =	sadd.s32 $0x1200, s6  }
0xc: {  	s8 =	sadd.s32 s8, s5;
	s5 =	sor.u32 $0x1C01, s10;
	s12 =	sadd.s32 $0x80, s9  }
0xd: {  	s13 =	sadd.s32 $0x100, s9;
	s14 =	sadd.s32 $0x180, s9;
	s15 =	sadd.s32 $0x200, s9  }
0xe: {  	s9 =	sshrl.u32 s9, $0x3;
	s10 =	simm.s32 $0x1;
	s7 =	sadd.s32 $0x6400, s8  }
0xf: {  	s8 =	smax.u32 s11, $0x1;
	s11 =	sshrl.u32 s12, $0x3;
	s12 =	sshrl.u32 s13, $0x3  }
0x10: {  	v0 =	vimm.f32 $1.000000000e+00;
	s13 =	sshrl.u32 s14, $0x3;
	s14 =	sshrl.u32 s15, $0x3;
	s15 =	simm.s32 $0x80  }
.LBB2_1:
0x11: {  	[spmem:s9], [sflag:s5] =	dma.local [hbm:s4], $0x10  }
0x12: {  	_ =	swait.ge [sflag:s10], $0x10  }
0x13: {  	[sflag:s10] =	ssyncset.done $0x0  }
0x14: {  	[sflag:s10] =	ssyncadd.s32 $0xFFFFFFF0  }
0x15: {  	[spmem:s11], [sflag:s5] =	dma.local [hbm:s4], $0x10  }
0x16: {  	_ =	swait.ge [sflag:s10], $0x10  }
0x17: {  	[sflag:s10] =	ssyncset.done $0x0  }
0x18: {  	[sflag:s10] =	ssyncadd.s32 $0xFFFFFFF0  }
0x19: {  	[spmem:s12], [sflag:s5] =	dma.local [hbm:s4], $0x10  }
0x1a: {  	_ =	swait.ge [sflag:s10], $0x10  }
0x1b: {  	[sflag:s10] =	ssyncset.done $0x0  }
0x1c: {  	[sflag:s10] =	ssyncadd.s32 $0xFFFFFFF0  }
0x1d: {  	[spmem:s13], [sflag:s5] =	dma.local [hbm:s4], $0x10  }
0x1e: {  	_ =	swait.ge [sflag:s10], $0x10  }
0x1f: {  	[sflag:s10] =	ssyncset.done $0x0  }
0x20: {  	[sflag:s10] =	ssyncadd.s32 $0xFFFFFFF0  }
0x21: {  	[spmem:s14], [sflag:s5] =	dma.local [hbm:s4], $0x10  }
0x22: {  	_ =	swait.ge [sflag:s10], $0x10  }
0x23: {  	[sflag:s10] =	ssyncset.done $0x0  }
0x24: {  	[sflag:s10] =	ssyncadd.s32 $0xFFFFFFF0  }
0x25: {  	[tilespmem:s3], [sflag:$0x1] =	stream.linear.gather [hbm4b:s6+s3], $0x2800, $0x38;
	[tilespmem:$0x2B00] =	vst v63  }
0x26: {  	_ =	swait.ge [sflag:s10], $0x2800  }
0x27: {  	[sflag:s10] =	ssyncset.done $0x0  }
0x28: {  	[sflag:s10] =	ssyncadd.s32 $0xFFFFD800  }
0x29: {  	[tilespmem:$0x2800] =	vst v0  }
0x2a: {  	[tilespmem:$0x2810] =	vst v0  }
0x2b: {  	[tilespmem:$0x2820] =	vst v0  }
0x2c: {  	[tilespmem:$0x2830] =	vst v0  }
0x2d: {  	[tilespmem:$0x2840] =	vst v0  }
0x2e: {  	[tilespmem:$0x2850] =	vst v0  }
0x2f: {  	[tilespmem:$0x2860] =	vst v0  }
0x30: {  	[tilespmem:$0x2870] =	vst v0  }
0x31: {  	s20 =	simm.s32 $0x0;
	[bflag:$0x0] =	sbarrier.arrive $0xFFFF  }
0x32: {  	[spmem:s2] =	stream.indirect.scatter.add.f32 [tilespmem:s16], [sflag:$0x1], $0x1, s20, s15, $0xb8;
	[tilespmem:$0x2B00] =	vst v63  }
0x33: {  	_ =	swait.ge [sflag:s10], $0x80  }
0x34: {  	s20 =	simm.s32 $0x200;
	[sflag:s10] =	ssyncset.done $0x0  }
.LBB2_2:
0x35: {  	s21 =	sshra.s32 s20, $0x2;
	[sflag:s10] =	ssyncadd.s32 $0xFFFFFF80;
	p0 =	sne.s32 s20, $0x9E00  }
0x36: {  	[spmem:s2] =	stream.indirect.scatter.add.f32 [tilespmem:s16], [sflag:$0x1], $0x1, s21, s15, $0xb8;
	[tilespmem:$0x2B00] =	vst v63  }
.Ltmp0:
0x37: {  	_ = 	snop;
	(pc) =	sbr.rel @p0 .LBB2_2-.Ltmp0, $4  }
0x38: {  	_ = 	snop  }
0x39: {  	s20 =	sadd.s32 $0x200, s20  }
0x3a: {  	_ =	swait.ge [sflag:s10], $0x80  }
0x3b: {  	[sflag:s10] =	ssyncset.done $0x0  }
0x3c: {  	s19 =	sadd.s32 $0x1, s19  }
0x3d: {  	[sflag:s10] =	ssyncadd.s32 $0xFFFFFF80;
	p0 =	sne.s32 s19, s8  }
.Ltmp1:
0x3e: {  	[bflag:$0x0] =	sbarrier.arrive $0xFFFF;
	(pc) =	sbr.rel @p0 .LBB2_1-.Ltmp1, $4  }
0x3f: {  	[hbm:s7@s17], [sflag:s5] =	dma.strided [spmem:s9@s18], $0x50, s10, $0x10   }
0x40: {  	_ =	swait.ge [sflag:s10], $0x50  }
0x41: {  	[sflag:s10] =	ssyncset.done $0x0  }
0x42: {  	[sflag:s10] =	ssyncadd.s32 $0xFFFFFFB0  }
0x43: {  	_ =	sfence.sel $0x180000  }
0x44: {  	[bflag:$0x0] =	sbarrier.arrive $0xFFFF  }
0x45: {  	p0 =	sne.s32 s1, $0x0;
	_ =	strace $0x90000047  }
0x46: {  	s0 =	sadd.s32 @!p0 $0x100000, s0;
	[bflag:$0x2] =	sbarrier.arrive $0xFFFF  }
0x47: {  	[sflag:s0] =	ssyncadd.tile.s32 @!p0 $0x1;
	_ =	shalt  }
.Lfunc_end2:
_tile_overlayer_lowered:
.L_overlay_start_2:
0x48: {  	(tag) =	ssettag $0x2  }
0x49: {  	s0 =	rddreg [dreg:$0x0];
	s2 =	stileid.u32  }
0x4a: {  	s1 =	rddreg [dreg:$0x1];
	p0 =	sne.s32 s2, $0x0  }
0x4b: {  	s3 =	rddreg [dreg:$0x2];
	[bflag:$0x3] =	sbarrier.arrive $0xFFFF;
	s2 =	simm.s32 @!p0 $0x1C01  }
0x4c: {  	[timem:s3], [sflag:s2] =	dma.local @!p0 [hbm:s0], s1  }
0x4d: {  	s0 =	simm.s32 @!p0 $0x1  }
0x4e: {  	_ =	swait.ge @!p0 [sflag:s0], s1  }
0x4f: {  	s1 =	ssub.s32 @!p0 $0x0, s1;
	[sflag:s0] =	ssyncset.done @!p0 $0x0  }
0x50: {  	[sflag:s0] =	ssyncadd.s32 @!p0 s1  }
0x51: {  	[bflag:$0x3] =	sbarrier.arrive $0xFFFF  }
0x52: {  	_ =	shalt  }

</sc_bundles>
